<compile_context>
chip_gen: v7x
topology: tpu7x:2x2x1
jax: 0.10.2.dev20260603
libtpu: 0.0.44.dev20260713+nightly
codegen_flags: <defaults>
</compile_context>

<pallas_src>
import functools

import jax
import jax.numpy as jnp
from jax import lax
from jax.experimental import pallas as pl
from jax.experimental.pallas import tpu as pltpu
from jax.experimental.pallas import tpu_sc as plsc

NUM_USERS = 100000
NUM_ITEMS_P1 = 1001
DIM = 128
B = 4096

NC = 2
NS = 16
NW = NC * NS
BPW = B // NW

BU = 6144
NAUG = 384


def _community_all_body(t_ref, wt_ref, out_ref):
  tb = t_ref[...].astype(jnp.bfloat16)
  p = lax.dot_general(wt_ref[...], tb,
                      (((1,), (0,)), ((), ())),
                      preferred_element_type=jnp.float32)
  num = p[256:257, :]
  pn = p[:256, :] / num
  pn16 = pn.T.astype(jnp.bfloat16)
  lo = lax.bitcast_convert_type(pn16[:, :128], jnp.uint16).astype(jnp.uint32)
  hi = lax.bitcast_convert_type(pn16[:, 128:], jnp.uint16).astype(jnp.uint32)
  out_ref[...] = lax.bitcast_convert_type(lo | (hi << 16), jnp.float32)


def _community_all(t, w_aug):
  grid = (pl.cdiv(NUM_USERS, BU),)
  return pl.pallas_call(
      _community_all_body,
      grid=grid,
      in_specs=[
          pl.BlockSpec((NUM_ITEMS_P1, BU), lambda i: (0, i)),
          pl.BlockSpec((NAUG, NUM_ITEMS_P1), lambda i: (0, 0)),
      ],
      out_specs=pl.BlockSpec((BU, 128), lambda i: (i, 0)),
      out_shape=jax.ShapeDtypeStruct((NUM_USERS, 128), jnp.float32),
      compiler_params=pltpu.CompilerParams(
          vmem_limit_bytes=100 * 1024 * 1024),
  )(t, w_aug)


def _sc_embed_body(user_hbm, pos_hbm, neg_hbm,
                   mf_user_w, mlp_user_w, mf_item_w, mlp_item_w,
                   mf_user_out, mlp_user_out,
                   mf_pos_out, mf_neg_out, mlp_pos_out, mlp_neg_out,
                   idx_u, idx_p, idx_n, embs, sem_emb):
  wid = lax.axis_index("s") * NC + lax.axis_index("c")
  base = wid * BPW

  pltpu.sync_copy(user_hbm.at[pl.ds(base, BPW)], idx_u)
  pltpu.sync_copy(pos_hbm.at[pl.ds(base, BPW)], idx_p)
  pltpu.sync_copy(neg_hbm.at[pl.ds(base, BPW)], idx_n)

  jobs = ((mf_user_w, idx_u, mf_user_out),
          (mlp_user_w, idx_u, mlp_user_out),
          (mf_item_w, idx_p, mf_pos_out),
          (mf_item_w, idx_n, mf_neg_out),
          (mlp_item_w, idx_p, mlp_pos_out),
          (mlp_item_w, idx_n, mlp_neg_out))
  descs = []
  for j, (table, idx, _) in enumerate(jobs):
    d = pltpu.make_async_copy(table.at[idx], embs.at[j], sem_emb)
    d.start()
    descs.append(d)
  for d in descs:
    d.wait()
  for j, (_, _, out) in enumerate(jobs):
    pltpu.sync_copy(embs.at[j], out.at[pl.ds(base, BPW)])


def _sc_embed(user, pos, neg, mf_user_w, mlp_user_w, mf_item_w, mlp_item_w):
  mesh = plsc.VectorSubcoreMesh(core_axis_name="c", subcore_axis_name="s",
                                num_cores=NC, num_subcores=NS)
  f32 = jnp.float32
  kern = functools.partial(
      pl.kernel,
      out_type=[jax.ShapeDtypeStruct((B, DIM), f32) for _ in range(6)],
      mesh=mesh,
      scratch_types=[
          pltpu.VMEM((BPW,), jnp.int32),
          pltpu.VMEM((BPW,), jnp.int32),
          pltpu.VMEM((BPW,), jnp.int32),
          pltpu.VMEM((6, BPW, DIM), f32),
          pltpu.SemaphoreType.DMA,
      ],
  )(_sc_embed_body)
  return kern(user, pos, neg, mf_user_w, mlp_user_w, mf_item_w, mlp_item_w)


def _sc_comgather_body(user_hbm, p_hbm, pk_out, idx_u, rows, sem):
  wid = lax.axis_index("s") * NC + lax.axis_index("c")
  base = wid * BPW
  pltpu.sync_copy(user_hbm.at[pl.ds(base, BPW)], idx_u)
  pltpu.async_copy(p_hbm.at[idx_u], rows, sem).wait()
  pltpu.sync_copy(rows, pk_out.at[pl.ds(base, BPW)])


def _sc_comgather(user, p_norm):
  mesh = plsc.VectorSubcoreMesh(core_axis_name="c", subcore_axis_name="s",
                                num_cores=NC, num_subcores=NS)
  kern = functools.partial(
      pl.kernel,
      out_type=jax.ShapeDtypeStruct((B, DIM), jnp.float32),
      mesh=mesh,
      scratch_types=[
          pltpu.VMEM((BPW,), jnp.int32),
          pltpu.VMEM((BPW, DIM), jnp.float32),
          pltpu.SemaphoreType.DMA,
      ],
  )(_sc_comgather_body)
  return kern(user, p_norm)


def kernel(user, pos, neg, mf_user_w, mf_item_w, mlp_user_w, mlp_item_w,
           train_label):
  user = user.astype(jnp.int32)
  pos = pos.astype(jnp.int32)
  neg = neg.astype(jnp.int32)

  t = train_label.T
  w_aug = jnp.concatenate(
      [mf_item_w, mlp_item_w,
       jnp.ones((NUM_ITEMS_P1, 1), jnp.float32),
       jnp.zeros((NUM_ITEMS_P1, NAUG - 257), jnp.float32)],
      axis=1).T.astype(jnp.bfloat16)

  p_norm = _community_all(t, w_aug)
  (mf_user_emb, mlp_user_emb, mf_pos_emb, mf_neg_emb, mlp_pos_emb,
   mlp_neg_emb) = _sc_embed(user, pos, neg, mf_user_w, mlp_user_w,
                            mf_item_w, mlp_item_w)
  pk = _sc_comgather(user, p_norm)
  bits = lax.bitcast_convert_type(pk, jnp.uint32)
  mf_pos_i_com = lax.bitcast_convert_type(
      (bits & 0xFFFF).astype(jnp.uint16), jnp.bfloat16).astype(jnp.float32)
  mlp_pos_i_com = lax.bitcast_convert_type(
      (bits >> 16).astype(jnp.uint16), jnp.bfloat16).astype(jnp.float32)
  return (mf_user_emb, mf_pos_emb, mf_neg_emb, mf_pos_i_com,
          mlp_user_emb, mlp_pos_emb, mlp_neg_emb, mlp_pos_i_com)

# --- scband reference (transcript-rebuilt; emitter-appended) ---
"""Pipeline reference for scband-neu-mf-50895362457921 (READ-ONLY COPY).

The authoritative reference and input builder live on the scoring server;
editing this copy changes nothing except your own understanding.
"""

import jax, jax.numpy as jnp
import numpy as np

NUM_USERS = 100000
NUM_ITEMS = 1000
DIM = 128
B = 4096


def setup_inputs(seed: int = 0) -> dict:
    key = jax.random.key(seed)
    ks = jax.random.split(key, 9)
    user = jax.random.randint(ks[0], (B,), 0, NUM_USERS, dtype=jnp.int64) if jax.config.jax_enable_x64 else jax.random.randint(ks[0], (B,), 0, NUM_USERS, dtype=jnp.int32)
    pos = jax.random.randint(ks[1], (B,), 0, NUM_ITEMS, dtype=user.dtype)
    neg = jax.random.randint(ks[2], (B,), 0, NUM_ITEMS, dtype=user.dtype)
    mf_user_w = jax.random.normal(ks[3], (NUM_USERS, DIM), dtype=jnp.float32) * 0.02
    mf_item_w = (jax.random.normal(ks[4], (NUM_ITEMS + 1, DIM), dtype=jnp.float32) * 0.02).at[NUM_ITEMS].set(0.0)
    mlp_user_w = jax.random.normal(ks[5], (NUM_USERS, DIM), dtype=jnp.float32) * 0.02
    mlp_item_w = (jax.random.normal(ks[6], (NUM_ITEMS + 1, DIM), dtype=jnp.float32) * 0.02).at[NUM_ITEMS].set(0.0)
    # binary user-item interaction matrix used by community_ui; guarantee no all-zero row
    train_label = (jax.random.uniform(ks[7], (NUM_USERS, NUM_ITEMS + 1)) < 0.05).astype(jnp.float32)
    train_label = train_label.at[:, 0].set(1.0)
    return {
        'user': user, 'pos': pos, 'neg': neg,
        'mf_user_w': mf_user_w, 'mf_item_w': mf_item_w,
        'mlp_user_w': mlp_user_w, 'mlp_item_w': mlp_item_w,
        'train_label': train_label,
    }


def reference(user, pos, neg, mf_user_w, mf_item_w, mlp_user_w, mlp_item_w, train_label):
    # embedding lookups (gathers)
    mf_user_emb = jnp.take(mf_user_w, user, axis=0)
    mf_pos_emb = jnp.take(mf_item_w, pos, axis=0)
    mf_neg_emb = jnp.take(mf_item_w, neg, axis=0)
    mlp_user_emb = jnp.take(mlp_user_w, user, axis=0)
    mlp_pos_emb = jnp.take(mlp_item_w, pos, axis=0)
    mlp_neg_emb = jnp.take(mlp_item_w, neg, axis=0)
    # community_ui: mean of positive-item embeddings per user
    batch_label = jnp.take(train_label, user, axis=0)  # [B, NUM_ITEMS+1]
    mf_pos_i_com = jnp.matmul(batch_label, mf_item_w)
    mlp_pos_i_com = jnp.matmul(batch_label, mlp_item_w)
    num = batch_label.sum(axis=1, keepdims=True)
    mf_pos_i_com = mf_pos_i_com / num
    mlp_pos_i_com = mlp_pos_i_com / num
    return (mf_user_emb, mf_pos_emb, mf_neg_emb, mf_pos_i_com,
            mlp_user_emb, mlp_pos_emb, mlp_neg_emb, mlp_pos_i_com)

if __name__ == "__main__":
    import jax
    _d = setup_inputs()
    print(jax.jit(kernel)(*tuple(_d.values())))

</pallas_src>

<mosaic_0001>
#map = affine_map<(d0, d1) -> (0)>
#map1 = affine_map<(d0, d1) -> (0, 0)>
module attributes {stable_mosaic.version = 14 : i64} {
  func.func @_sc_comgather_body(%arg0: i32, %arg1: i32, %arg2: memref<4096xi32, #tpu.memory_space<hbm>>, %arg3: memref<100000x128xf32, #tpu.memory_space<hbm>>, %arg4: memref<4096x128xf32, #tpu.memory_space<hbm>>, %arg5: memref<128xi32, #tpu.memory_space<vmem>>, %arg6: memref<128x128xf32, #tpu.memory_space<vmem>>, %arg7: memref<!tpu.dma_semaphore, #tpu.memory_space<semaphore_mem>>) attributes {dimension_semantics = [#tpu.dimension_semantics<core_parallel>, #tpu.dimension_semantics<subcore_parallel>], iteration_bounds = array<i64: 2, 16>, scalar_prefetch = 0 : i64, scratch_operands = 3 : i64, tpu.core_type = #tpu.core_type<sc_vector_subcore>, window_params = [{transform_indices = #map}, {transform_indices = #map1}, {transform_indices = #map1}]} {
    %mul3A = arith.constant 2 : i32
    %mul3A_0 = arith.muli %arg1, %mul3A : i32
    %add3A = arith.addi %mul3A_0, %arg0 : i32
    %mul3A_1 = arith.constant 128 : i32
    %mul3A_2 = arith.muli %add3A, %mul3A_1 : i32
    "tpu.region"() ({
      %run_scoped3A = tpu.sem_alloc : memref<!tpu.dma_semaphore, #tpu.memory_space<semaphore_mem>>
      %dma_start3A_7 = tpu.memref_slice %arg2[%mul3A_2] : memref<4096xi32, #tpu.memory_space<hbm>> -> memref<128xi32, #tpu.memory_space<hbm>>
      %dma_start3A_8 = tpu.memref_slice %arg2[%mul3A_2] : memref<4096xi32, #tpu.memory_space<hbm>> -> memref<128xi32, #tpu.memory_space<hbm>>
      tpu.enqueue_dma source(%dma_start3A_8 : memref<128xi32, #tpu.memory_space<hbm>>) target(%arg5 : memref<128xi32, #tpu.memory_space<vmem>>) target_semaphore(%run_scoped3A : memref<!tpu.dma_semaphore, #tpu.memory_space<semaphore_mem>>)
      %dma_wait3A_9 = tpu.memref_slice %arg2[%mul3A_2] : memref<4096xi32, #tpu.memory_space<hbm>> -> memref<128xi32, #tpu.memory_space<hbm>>
      %dma_wait3A_10 = tpu.memref_slice %arg2[%mul3A_2] : memref<4096xi32, #tpu.memory_space<hbm>> -> memref<128xi32, #tpu.memory_space<hbm>>
      tpu.wait_dma2 semaphore(%run_scoped3A : memref<!tpu.dma_semaphore, #tpu.memory_space<semaphore_mem>>) src(%dma_wait3A_10 : memref<128xi32, #tpu.memory_space<hbm>>) dst(%arg5 : memref<128xi32, #tpu.memory_space<vmem>>)
      tpu.yield
    }) : () -> ()
    %dma_start3A = arith.constant 0 : i32
    %dma_start3A_3 = arith.constant 0 : i32
    %dma_start3A_4 = tpu.memref_slice %arg3[%dma_start3A, %dma_start3A_3] : memref<100000x128xf32, #tpu.memory_space<hbm>> -> memref<100000x128xf32, #tpu.memory_space<hbm>>
    tpu.enqueue_indirect_dma source(%dma_start3A_4 : memref<100000x128xf32, #tpu.memory_space<hbm>>) target(%arg6 : memref<128x128xf32, #tpu.memory_space<vmem>>) offsets(%arg5 : memref<128xi32, #tpu.memory_space<vmem>>) semaphore(%arg7 : memref<!tpu.dma_semaphore, #tpu.memory_space<semaphore_mem>>)
    %dma_wait3A = arith.constant 0 : i32
    %dma_wait3A_5 = arith.constant 0 : i32
    %dma_wait3A_6 = tpu.memref_slice %arg3[%dma_wait3A, %dma_wait3A_5] : memref<100000x128xf32, #tpu.memory_space<hbm>> -> memref<100000x128xf32, #tpu.memory_space<hbm>>
    tpu.wait_indirect_dma semaphore(%arg7 : memref<!tpu.dma_semaphore, #tpu.memory_space<semaphore_mem>>) src(%dma_wait3A_6 : memref<100000x128xf32, #tpu.memory_space<hbm>>) dst(%arg6 : memref<128x128xf32, #tpu.memory_space<vmem>>)
    "tpu.region"() ({
      %run_scoped3A = tpu.sem_alloc : memref<!tpu.dma_semaphore, #tpu.memory_space<semaphore_mem>>
      %dma_start3A_7 = arith.constant 0 : i32
      %dma_start3A_8 = tpu.memref_slice %arg4[%mul3A_2, %dma_start3A_7] : memref<4096x128xf32, #tpu.memory_space<hbm>> -> memref<128x128xf32, #tpu.memory_space<hbm>>
      %dma_start3A_9 = arith.constant 0 : i32
      %dma_start3A_10 = tpu.memref_slice %arg4[%mul3A_2, %dma_start3A_9] : memref<4096x128xf32, #tpu.memory_space<hbm>> -> memref<128x128xf32, #tpu.memory_space<hbm>>
      tpu.enqueue_dma source(%arg6 : memref<128x128xf32, #tpu.memory_space<vmem>>) target(%dma_start3A_10 : memref<128x128xf32, #tpu.memory_space<hbm>>) target_semaphore(%run_scoped3A : memref<!tpu.dma_semaphore, #tpu.memory_space<semaphore_mem>>)
      %dma_wait3A_11 = arith.constant 0 : i32
      %dma_wait3A_12 = tpu.memref_slice %arg4[%mul3A_2, %dma_wait3A_11] : memref<4096x128xf32, #tpu.memory_space<hbm>> -> memref<128x128xf32, #tpu.memory_space<hbm>>
      %dma_wait3A_13 = arith.constant 0 : i32
      %dma_wait3A_14 = tpu.memref_slice %arg4[%mul3A_2, %dma_wait3A_13] : memref<4096x128xf32, #tpu.memory_space<hbm>> -> memref<128x128xf32, #tpu.memory_space<hbm>>
      tpu.wait_dma2 semaphore(%run_scoped3A : memref<!tpu.dma_semaphore, #tpu.memory_space<semaphore_mem>>) src(%arg6 : memref<128x128xf32, #tpu.memory_space<vmem>>) dst(%dma_wait3A_14 : memref<128x128xf32, #tpu.memory_space<hbm>>)
      tpu.yield
    }) : () -> ()
    return
  }
}

#map = affine_map<(d0, d1) -> (0)>
#map1 = affine_map<(d0, d1) -> (0, 0)>
module attributes {stable_mosaic.version = 14 : i64} {
  func.func @_sc_embed_body(%arg0: i32, %arg1: i32, %arg2: memref<4096xi32, #tpu.memory_space<hbm>>, %arg3: memref<4096xi32, #tpu.memory_space<hbm>>, %arg4: memref<4096xi32, #tpu.memory_space<hbm>>, %arg5: memref<100000x128xf32, #tpu.memory_space<hbm>>, %arg6: memref<100000x128xf32, #tpu.memory_space<hbm>>, %arg7: memref<1001x128xf32, #tpu.memory_space<hbm>>, %arg8: memref<1001x128xf32, #tpu.memory_space<hbm>>, %arg9: memref<4096x128xf32, #tpu.memory_space<hbm>>, %arg10: memref<4096x128xf32, #tpu.memory_space<hbm>>, %arg11: memref<4096x128xf32, #tpu.memory_space<hbm>>, %arg12: memref<4096x128xf32, #tpu.memory_space<hbm>>, %arg13: memref<4096x128xf32, #tpu.memory_space<hbm>>, %arg14: memref<4096x128xf32, #tpu.memory_space<hbm>>, %arg15: memref<128xi32, #tpu.memory_space<vmem>>, %arg16: memref<128xi32, #tpu.memory_space<vmem>>, %arg17: memref<128xi32, #tpu.memory_space<vmem>>, %arg18: memref<6x128x128xf32, #tpu.memory_space<vmem>>, %arg19: memref<!tpu.dma_semaphore, #tpu.memory_space<semaphore_mem>>) attributes {dimension_semantics = [#tpu.dimension_semantics<core_parallel>, #tpu.dimension_semantics<subcore_parallel>], iteration_bounds = array<i64: 2, 16>, scalar_prefetch = 0 : i64, scratch_operands = 5 : i64, tpu.core_type = #tpu.core_type<sc_vector_subcore>, window_params = [{transform_indices = #map}, {transform_indices = #map}, {transform_indices = #map}, {transform_indices = #map1}, {transform_indices = #map1}, {transform_indices = #map1}, {transform_indices = #map1}, {transform_indices = #map1}, {transform_indices = #map1}, {transform_indices = #map1}, {transform_indices = #map1}, {transform_indices = #map1}, {transform_indices = #map1}]} {
    %mul3A = arith.constant 2 : i32
    %mul3A_0 = arith.muli %arg1, %mul3A : i32
    %add3A = arith.addi %mul3A_0, %arg0 : i32
    %mul3A_1 = arith.constant 128 : i32
    %mul3A_2 = arith.muli %add3A, %mul3A_1 : i32
    "tpu.region"() ({
      %run_scoped3A_102 = tpu.sem_alloc : memref<!tpu.dma_semaphore, #tpu.memory_space<semaphore_mem>>
      %dma_start3A_103 = tpu.memref_slice %arg2[%mul3A_2] : memref<4096xi32, #tpu.memory_space<hbm>> -> memref<128xi32, #tpu.memory_space<hbm>>
      %dma_start3A_104 = tpu.memref_slice %arg2[%mul3A_2] : memref<4096xi32, #tpu.memory_space<hbm>> -> memref<128xi32, #tpu.memory_space<hbm>>
      tpu.enqueue_dma source(%dma_start3A_104 : memref<128xi32, #tpu.memory_space<hbm>>) target(%arg15 : memref<128xi32, #tpu.memory_space<vmem>>) target_semaphore(%run_scoped3A_102 : memref<!tpu.dma_semaphore, #tpu.memory_space<semaphore_mem>>)
      %dma_wait3A_105 = tpu.memref_slice %arg2[%mul3A_2] : memref<4096xi32, #tpu.memory_space<hbm>> -> memref<128xi32, #tpu.memory_space<hbm>>
      %dma_wait3A_106 = tpu.memref_slice %arg2[%mul3A_2] : memref<4096xi32, #tpu.memory_space<hbm>> -> memref<128xi32, #tpu.memory_space<hbm>>
      tpu.wait_dma2 semaphore(%run_scoped3A_102 : memref<!tpu.dma_semaphore, #tpu.memory_space<semaphore_mem>>) src(%dma_wait3A_106 : memref<128xi32, #tpu.memory_space<hbm>>) dst(%arg15 : memref<128xi32, #tpu.memory_space<vmem>>)
      tpu.yield
    }) : () -> ()
    "tpu.region"() ({
      %run_scoped3A_102 = tpu.sem_alloc : memref<!tpu.dma_semaphore, #tpu.memory_space<semaphore_mem>>
      %dma_start3A_103 = tpu.memref_slice %arg3[%mul3A_2] : memref<4096xi32, #tpu.memory_space<hbm>> -> memref<128xi32, #tpu.memory_space<hbm>>
      %dma_start3A_104 = tpu.memref_slice %arg3[%mul3A_2] : memref<4096xi32, #tpu.memory_space<hbm>> -> memref<128xi32, #tpu.memory_space<hbm>>
      tpu.enqueue_dma source(%dma_start3A_104 : memref<128xi32, #tpu.memory_space<hbm>>) target(%arg16 : memref<128xi32, #tpu.memory_space<vmem>>) target_semaphore(%run_scoped3A_102 : memref<!tpu.dma_semaphore, #tpu.memory_space<semaphore_mem>>)
      %dma_wait3A_105 = tpu.memref_slice %arg3[%mul3A_2] : memref<4096xi32, #tpu.memory_space<hbm>> -> memref<128xi32, #tpu.memory_space<hbm>>
      %dma_wait3A_106 = tpu.memref_slice %arg3[%mul3A_2] : memref<4096xi32, #tpu.memory_space<hbm>> -> memref<128xi32, #tpu.memory_space<hbm>>
      tpu.wait_dma2 semaphore(%run_scoped3A_102 : memref<!tpu.dma_semaphore, #tpu.memory_space<semaphore_mem>>) src(%dma_wait3A_106 : memref<128xi32, #tpu.memory_space<hbm>>) dst(%arg16 : memref<128xi32, #tpu.memory_space<vmem>>)
      tpu.yield
    }) : () -> ()
    "tpu.region"() ({
      %run_scoped3A_102 = tpu.sem_alloc : memref<!tpu.dma_semaphore, #tpu.memory_space<semaphore_mem>>
      %dma_start3A_103 = tpu.memref_slice %arg4[%mul3A_2] : memref<4096xi32, #tpu.memory_space<hbm>> -> memref<128xi32, #tpu.memory_space<hbm>>
      %dma_start3A_104 = tpu.memref_slice %arg4[%mul3A_2] : memref<4096xi32, #tpu.memory_space<hbm>> -> memref<128xi32, #tpu.memory_space<hbm>>
      tpu.enqueue_dma source(%dma_start3A_104 : memref<128xi32, #tpu.memory_space<hbm>>) target(%arg17 : memref<128xi32, #tpu.memory_space<vmem>>) target_semaphore(%run_scoped3A_102 : memref<!tpu.dma_semaphore, #tpu.memory_space<semaphore_mem>>)
      %dma_wait3A_105 = tpu.memref_slice %arg4[%mul3A_2] : memref<4096xi32, #tpu.memory_space<hbm>> -> memref<128xi32, #tpu.memory_space<hbm>>
      %dma_wait3A_106 = tpu.memref_slice %arg4[%mul3A_2] : memref<4096xi32, #tpu.memory_space<hbm>> -> memref<128xi32, #tpu.memory_space<hbm>>
      tpu.wait_dma2 semaphore(%run_scoped3A_102 : memref<!tpu.dma_semaphore, #tpu.memory_space<semaphore_mem>>) src(%dma_wait3A_106 : memref<128xi32, #tpu.memory_space<hbm>>) dst(%arg17 : memref<128xi32, #tpu.memory_space<vmem>>)
      tpu.yield
    }) : () -> ()
    %dma_start3A = arith.constant 0 : i32
    %dma_start3A_3 = arith.constant 0 : i32
    %dma_start3A_4 = arith.constant 0 : i32
    %dma_start3A_5 = tpu.memref_slice %arg18[%dma_start3A, %dma_start3A_3, %dma_start3A_4] : memref<6x128x128xf32, #tpu.memory_space<vmem>> -> memref<1x128x128xf32, #tpu.memory_space<vmem>>
    %dma_start3A_6 = tpu.memref_squeeze %dma_start3A_5 : memref<1x128x128xf32, #tpu.memory_space<vmem>> -> memref<128x128xf32, #tpu.memory_space<vmem>>
    %dma_start3A_7 = arith.constant 0 : i32
    %dma_start3A_8 = arith.constant 0 : i32
    %dma_start3A_9 = tpu.memref_slice %arg5[%dma_start3A_7, %dma_start3A_8] : memref<100000x128xf32, #tpu.memory_space<hbm>> -> memref<100000x128xf32, #tpu.memory_space<hbm>>
    tpu.enqueue_indirect_dma source(%dma_start3A_9 : memref<100000x128xf32, #tpu.memory_space<hbm>>) target(%dma_start3A_6 : memref<128x128xf32, #tpu.memory_space<vmem>>) offsets(%arg15 : memref<128xi32, #tpu.memory_space<vmem>>) semaphore(%arg19 : memref<!tpu.dma_semaphore, #tpu.memory_space<semaphore_mem>>)
    %dma_start3A_10 = arith.constant 1 : i32
    %dma_start3A_11 = arith.constant 0 : i32
    %dma_start3A_12 = arith.constant 0 : i32
    %dma_start3A_13 = tpu.memref_slice %arg18[%dma_start3A_10, %dma_start3A_11, %dma_start3A_12] : memref<6x128x128xf32, #tpu.memory_space<vmem>> -> memref<1x128x128xf32, #tpu.memory_space<vmem>>
    %dma_start3A_14 = tpu.memref_squeeze %dma_start3A_13 : memref<1x128x128xf32, #tpu.memory_space<vmem>> -> memref<128x128xf32, #tpu.memory_space<vmem>>
    %dma_start3A_15 = arith.constant 0 : i32
    %dma_start3A_16 = arith.constant 0 : i32
    %dma_start3A_17 = tpu.memref_slice %arg6[%dma_start3A_15, %dma_start3A_16] : memref<100000x128xf32, #tpu.memory_space<hbm>> -> memref<100000x128xf32, #tpu.memory_space<hbm>>
    tpu.enqueue_indirect_dma source(%dma_start3A_17 : memref<100000x128xf32, #tpu.memory_space<hbm>>) target(%dma_start3A_14 : memref<128x128xf32, #tpu.memory_space<vmem>>) offsets(%arg15 : memref<128xi32, #tpu.memory_space<vmem>>) semaphore(%arg19 : memref<!tpu.dma_semaphore, #tpu.memory_space<semaphore_mem>>)
    %dma_start3A_18 = arith.constant 2 : i32
    %dma_start3A_19 = arith.constant 0 : i32
    %dma_start3A_20 = arith.constant 0 : i32
    %dma_start3A_21 = tpu.memref_slice %arg18[%dma_start3A_18, %dma_start3A_19, %dma_start3A_20] : memref<6x128x128xf32, #tpu.memory_space<vmem>> -> memref<1x128x128xf32, #tpu.memory_space<vmem>>
    %dma_start3A_22 = tpu.memref_squeeze %dma_start3A_21 : memref<1x128x128xf32, #tpu.memory_space<vmem>> -> memref<128x128xf32, #tpu.memory_space<vmem>>
    %dma_start3A_23 = arith.constant 0 : i32
    %dma_start3A_24 = arith.constant 0 : i32
    %dma_start3A_25 = tpu.memref_slice %arg7[%dma_start3A_23, %dma_start3A_24] : memref<1001x128xf32, #tpu.memory_space<hbm>> -> memref<1001x128xf32, #tpu.memory_space<hbm>>
    tpu.enqueue_indirect_dma source(%dma_start3A_25 : memref<1001x128xf32, #tpu.memory_space<hbm>>) target(%dma_start3A_22 : memref<128x128xf32, #tpu.memory_space<vmem>>) offsets(%arg16 : memref<128xi32, #tpu.memory_space<vmem>>) semaphore(%arg19 : memref<!tpu.dma_semaphore, #tpu.memory_space<semaphore_mem>>)
    %dma_start3A_26 = arith.constant 3 : i32
    %dma_start3A_27 = arith.constant 0 : i32
    %dma_start3A_28 = arith.constant 0 : i32
    %dma_start3A_29 = tpu.memref_slice %arg18[%dma_start3A_26, %dma_start3A_27, %dma_start3A_28] : memref<6x128x128xf32, #tpu.memory_space<vmem>> -> memref<1x128x128xf32, #tpu.memory_space<vmem>>
    %dma_start3A_30 = tpu.memref_squeeze %dma_start3A_29 : memref<1x128x128xf32, #tpu.memory_space<vmem>> -> memref<128x128xf32, #tpu.memory_space<vmem>>
    %dma_start3A_31 = arith.constant 0 : i32
    %dma_start3A_32 = arith.constant 0 : i32
    %dma_start3A_33 = tpu.memref_slice %arg7[%dma_start3A_31, %dma_start3A_32] : memref<1001x128xf32, #tpu.memory_space<hbm>> -> memref<1001x128xf32, #tpu.memory_space<hbm>>
    tpu.enqueue_indirect_dma source(%dma_start3A_33 : memref<1001x128xf32, #tpu.memory_space<hbm>>) target(%dma_start3A_30 : memref<128x128xf32, #tpu.memory_space<vmem>>) offsets(%arg17 : memref<128xi32, #tpu.memory_space<vmem>>) semaphore(%arg19 : memref<!tpu.dma_semaphore, #tpu.memory_space<semaphore_mem>>)
    %dma_start3A_34 = arith.constant 4 : i32
    %dma_start3A_35 = arith.constant 0 : i32
    %dma_start3A_36 = arith.constant 0 : i32
    %dma_start3A_37 = tpu.memref_slice %arg18[%dma_start3A_34, %dma_start3A_35, %dma_start3A_36] : memref<6x128x128xf32, #tpu.memory_space<vmem>> -> memref<1x128x128xf32, #tpu.memory_space<vmem>>
    %dma_start3A_38 = tpu.memref_squeeze %dma_start3A_37 : memref<1x128x128xf32, #tpu.memory_space<vmem>> -> memref<128x128xf32, #tpu.memory_space<vmem>>
    %dma_start3A_39 = arith.constant 0 : i32
    %dma_start3A_40 = arith.constant 0 : i32
    %dma_start3A_41 = tpu.memref_slice %arg8[%dma_start3A_39, %dma_start3A_40] : memref<1001x128xf32, #tpu.memory_space<hbm>> -> memref<1001x128xf32, #tpu.memory_space<hbm>>
    tpu.enqueue_indirect_dma source(%dma_start3A_41 : memref<1001x128xf32, #tpu.memory_space<hbm>>) target(%dma_start3A_38 : memref<128x128xf32, #tpu.memory_space<vmem>>) offsets(%arg16 : memref<128xi32, #tpu.memory_space<vmem>>) semaphore(%arg19 : memref<!tpu.dma_semaphore, #tpu.memory_space<semaphore_mem>>)
    %dma_start3A_42 = arith.constant 5 : i32
    %dma_start3A_43 = arith.constant 0 : i32
    %dma_start3A_44 = arith.constant 0 : i32
    %dma_start3A_45 = tpu.memref_slice %arg18[%dma_start3A_42, %dma_start3A_43, %dma_start3A_44] : memref<6x128x128xf32, #tpu.memory_space<vmem>> -> memref<1x128x128xf32, #tpu.memory_space<vmem>>
    %dma_start3A_46 = tpu.memref_squeeze %dma_start3A_45 : memref<1x128x128xf32, #tpu.memory_space<vmem>> -> memref<128x128xf32, #tpu.memory_space<vmem>>
    %dma_start3A_47 = arith.constant 0 : i32
    %dma_start3A_48 = arith.constant 0 : i32
    %dma_start3A_49 = tpu.memref_slice %arg8[%dma_start3A_47, %dma_start3A_48] : memref<1001x128xf32, #tpu.memory_space<hbm>> -> memref<1001x128xf32, #tpu.memory_space<hbm>>
    tpu.enqueue_indirect_dma source(%dma_start3A_49 : memref<1001x128xf32, #tpu.memory_space<hbm>>) target(%dma_start3A_46 : memref<128x128xf32, #tpu.memory_space<vmem>>) offsets(%arg17 : memref<128xi32, #tpu.memory_space<vmem>>) semaphore(%arg19 : memref<!tpu.dma_semaphore, #tpu.memory_space<semaphore_mem>>)
    %dma_wait3A = arith.constant 0 : i32
    %dma_wait3A_50 = arith.constant 0 : i32
    %dma_wait3A_51 = arith.constant 0 : i32
    %dma_wait3A_52 = tpu.memref_slice %arg18[%dma_wait3A, %dma_wait3A_50, %dma_wait3A_51] : memref<6x128x128xf32, #tpu.memory_space<vmem>> -> memref<1x128x128xf32, #tpu.memory_space<vmem>>
    %dma_wait3A_53 = tpu.memref_squeeze %dma_wait3A_52 : memref<1x128x128xf32, #tpu.memory_space<vmem>> -> memref<128x128xf32, #tpu.memory_space<vmem>>
    %dma_wait3A_54 = arith.constant 0 : i32
    %dma_wait3A_55 = arith.constant 0 : i32
    %dma_wait3A_56 = tpu.memref_slice %arg5[%dma_wait3A_54, %dma_wait3A_55] : memref<100000x128xf32, #tpu.memory_space<hbm>> -> memref<100000x128xf32, #tpu.memory_space<hbm>>
    tpu.wait_indirect_dma semaphore(%arg19 : memref<!tpu.dma_semaphore, #tpu.memory_space<semaphore_mem>>) src(%dma_wait3A_56 : memref<100000x128xf32, #tpu.memory_space<hbm>>) dst(%dma_wait3A_53 : memref<128x128xf32, #tpu.memory_space<vmem>>)
    %dma_wait3A_57 = arith.constant 1 : i32
    %dma_wait3A_58 = arith.constant 0 : i32
    %dma_wait3A_59 = arith.constant 0 : i32
    %dma_wait3A_60 = tpu.memref_slice %arg18[%dma_wait3A_57, %dma_wait3A_58, %dma_wait3A_59] : memref<6x128x128xf32, #tpu.memory_space<vmem>> -> memref<1x128x128xf32, #tpu.memory_space<vmem>>
    %dma_wait3A_61 = tpu.memref_squeeze %dma_wait3A_60 : memref<1x128x128xf32, #tpu.memory_space<vmem>> -> memref<128x128xf32, #tpu.memory_space<vmem>>
    %dma_wait3A_62 = arith.constant 0 : i32
    %dma_wait3A_63 = arith.constant 0 : i32
    %dma_wait3A_64 = tpu.memref_slice %arg6[%dma_wait3A_62, %dma_wait3A_63] : memref<100000x128xf32, #tpu.memory_space<hbm>> -> memref<100000x128xf32, #tpu.memory_space<hbm>>
    tpu.wait_indirect_dma semaphore(%arg19 : memref<!tpu.dma_semaphore, #tpu.memory_space<semaphore_mem>>) src(%dma_wait3A_64 : memref<100000x128xf32, #tpu.memory_space<hbm>>) dst(%dma_wait3A_61 : memref<128x128xf32, #tpu.memory_space<vmem>>)
    %dma_wait3A_65 = arith.constant 2 : i32
    %dma_wait3A_66 = arith.constant 0 : i32
    %dma_wait3A_67 = arith.constant 0 : i32
    %dma_wait3A_68 = tpu.memref_slice %arg18[%dma_wait3A_65, %dma_wait3A_66, %dma_wait3A_67] : memref<6x128x128xf32, #tpu.memory_space<vmem>> -> memref<1x128x128xf32, #tpu.memory_space<vmem>>
    %dma_wait3A_69 = tpu.memref_squeeze %dma_wait3A_68 : memref<1x128x128xf32, #tpu.memory_space<vmem>> -> memref<128x128xf32, #tpu.memory_space<vmem>>
    %dma_wait3A_70 = arith.constant 0 : i32
    %dma_wait3A_71 = arith.constant 0 : i32
    %dma_wait3A_72 = tpu.memref_slice %arg7[%dma_wait3A_70, %dma_wait3A_71] : memref<1001x128xf32, #tpu.memory_space<hbm>> -> memref<1001x128xf32, #tpu.memory_space<hbm>>
    tpu.wait_indirect_dma semaphore(%arg19 : memref<!tpu.dma_semaphore, #tpu.memory_space<semaphore_mem>>) src(%dma_wait3A_72 : memref<1001x128xf32, #tpu.memory_space<hbm>>) dst(%dma_wait3A_69 : memref<128x128xf32, #tpu.memory_space<vmem>>)
    %dma_wait3A_73 = arith.constant 3 : i32
    %dma_wait3A_74 = arith.constant 0 : i32
    %dma_wait3A_75 = arith.constant 0 : i32
    %dma_wait3A_76 = tpu.memref_slice %arg18[%dma_wait3A_73, %dma_wait3A_74, %dma_wait3A_75] : memref<6x128x128xf32, #tpu.memory_space<vmem>> -> memref<1x128x128xf32, #tpu.memory_space<vmem>>
    %dma_wait3A_77 = tpu.memref_squeeze %dma_wait3A_76 : memref<1x128x128xf32, #tpu.memory_space<vmem>> -> memref<128x128xf32, #tpu.memory_space<vmem>>
    %dma_wait3A_78 = arith.constant 0 : i32
    %dma_wait3A_79 = arith.constant 0 : i32
    %dma_wait3A_80 = tpu.memref_slice %arg7[%dma_wait3A_78, %dma_wait3A_79] : memref<1001x128xf32, #tpu.memory_space<hbm>> -> memref<1001x128xf32, #tpu.memory_space<hbm>>
    tpu.wait_indirect_dma semaphore(%arg19 : memref<!tpu.dma_semaphore, #tpu.memory_space<semaphore_mem>>) src(%dma_wait3A_80 : memref<1001x128xf32, #tpu.memory_space<hbm>>) dst(%dma_wait3A_77 : memref<128x128xf32, #tpu.memory_space<vmem>>)
    %dma_wait3A_81 = arith.constant 4 : i32
    %dma_wait3A_82 = arith.constant 0 : i32
    %dma_wait3A_83 = arith.constant 0 : i32
    %dma_wait3A_84 = tpu.memref_slice %arg18[%dma_wait3A_81, %dma_wait3A_82, %dma_wait3A_83] : memref<6x128x128xf32, #tpu.memory_space<vmem>> -> memref<1x128x128xf32, #tpu.memory_space<vmem>>
    %dma_wait3A_85 = tpu.memref_squeeze %dma_wait3A_84 : memref<1x128x128xf32, #tpu.memory_space<vmem>> -> memref<128x128xf32, #tpu.memory_space<vmem>>
    %dma_wait3A_86 = arith.constant 0 : i32
    %dma_wait3A_87 = arith.constant 0 : i32
    %dma_wait3A_88 = tpu.memref_slice %arg8[%dma_wait3A_86, %dma_wait3A_87] : memref<1001x128xf32, #tpu.memory_space<hbm>> -> memref<1001x128xf32, #tpu.memory_space<hbm>>
    tpu.wait_indirect_dma semaphore(%arg19 : memref<!tpu.dma_semaphore, #tpu.memory_space<semaphore_mem>>) src(%dma_wait3A_88 : memref<1001x128xf32, #tpu.memory_space<hbm>>) dst(%dma_wait3A_85 : memref<128x128xf32, #tpu.memory_space<vmem>>)
    %dma_wait3A_89 = arith.constant 5 : i32
    %dma_wait3A_90 = arith.constant 0 : i32
    %dma_wait3A_91 = arith.constant 0 : i32
    %dma_wait3A_92 = tpu.memref_slice %arg18[%dma_wait3A_89, %dma_wait3A_90, %dma_wait3A_91] : memref<6x128x128xf32, #tpu.memory_space<vmem>> -> memref<1x128x128xf32, #tpu.memory_space<vmem>>
    %dma_wait3A_93 = tpu.memref_squeeze %dma_wait3A_92 : memref<1x128x128xf32, #tpu.memory_space<vmem>> -> memref<128x128xf32, #tpu.memory_space<vmem>>
    %dma_wait3A_94 = arith.constant 0 : i32
    %dma_wait3A_95 = arith.constant 0 : i32
    %dma_wait3A_96 = tpu.memref_slice %arg8[%dma_wait3A_94, %dma_wait3A_95] : memref<1001x128xf32, #tpu.memory_space<hbm>> -> memref<1001x128xf32, #tpu.memory_space<hbm>>
    tpu.wait_indirect_dma semaphore(%arg19 : memref<!tpu.dma_semaphore, #tpu.memory_space<semaphore_mem>>) src(%dma_wait3A_96 : memref<1001x128xf32, #tpu.memory_space<hbm>>) dst(%dma_wait3A_93 : memref<128x128xf32, #tpu.memory_space<vmem>>)
    %run_scoped3A = arith.constant 0 : i32
    "tpu.region"() ({
      %run_scoped3A_102 = tpu.sem_alloc : memref<!tpu.dma_semaphore, #tpu.memory_space<semaphore_mem>>
      %dma_start3A_103 = arith.constant 0 : i32
      %dma_start3A_104 = arith.constant 0 : i32
      %dma_start3A_105 = tpu.memref_slice %arg18[%run_scoped3A, %dma_start3A_103, %dma_start3A_104] : memref<6x128x128xf32, #tpu.memory_space<vmem>> -> memref<1x128x128xf32, #tpu.memory_space<vmem>>
      %dma_start3A_106 = tpu.memref_squeeze %dma_start3A_105 : memref<1x128x128xf32, #tpu.memory_space<vmem>> -> memref<128x128xf32, #tpu.memory_space<vmem>>
      %dma_start3A_107 = arith.constant 0 : i32
      %dma_start3A_108 = tpu.memref_slice %arg9[%mul3A_2, %dma_start3A_107] : memref<4096x128xf32, #tpu.memory_space<hbm>> -> memref<128x128xf32, #tpu.memory_space<hbm>>
      %dma_start3A_109 = arith.constant 0 : i32
      %dma_start3A_110 = tpu.memref_slice %arg9[%mul3A_2, %dma_start3A_109] : memref<4096x128xf32, #tpu.memory_space<hbm>> -> memref<128x128xf32, #tpu.memory_space<hbm>>
      %dma_start3A_111 = arith.constant 0 : i32
      %dma_start3A_112 = arith.constant 0 : i32
      %dma_start3A_113 = tpu.memref_slice %arg18[%run_scoped3A, %dma_start3A_111, %dma_start3A_112] : memref<6x128x128xf32, #tpu.memory_space<vmem>> -> memref<1x128x128xf32, #tpu.memory_space<vmem>>
      %dma_start3A_114 = tpu.memref_squeeze %dma_start3A_113 : memref<1x128x128xf32, #tpu.memory_space<vmem>> -> memref<128x128xf32, #tpu.memory_space<vmem>>
      tpu.enqueue_dma source(%dma_start3A_114 : memref<128x128xf32, #tpu.memory_space<vmem>>) target(%dma_start3A_110 : memref<128x128xf32, #tpu.memory_space<hbm>>) target_semaphore(%run_scoped3A_102 : memref<!tpu.dma_semaphore, #tpu.memory_space<semaphore_mem>>)
      %dma_wait3A_115 = arith.constant 0 : i32
      %dma_wait3A_116 = arith.constant 0 : i32
      %dma_wait3A_117 = tpu.memref_slice %arg18[%run_scoped3A, %dma_wait3A_115, %dma_wait3A_116] : memref<6x128x128xf32, #tpu.memory_space<vmem>> -> memref<1x128x128xf32, #tpu.memory_space<vmem>>
      %dma_wait3A_118 = tpu.memref_squeeze %dma_wait3A_117 : memref<1x128x128xf32, #tpu.memory_space<vmem>> -> memref<128x128xf32, #tpu.memory_space<vmem>>
      %dma_wait3A_119 = arith.constant 0 : i32
      %dma_wait3A_120 = tpu.memref_slice %arg9[%mul3A_2, %dma_wait3A_119] : memref<4096x128xf32, #tpu.memory_space<hbm>> -> memref<128x128xf32, #tpu.memory_space<hbm>>
      %dma_wait3A_121 = arith.constant 0 : i32
      %dma_wait3A_122 = tpu.memref_slice %arg9[%mul3A_2, %dma_wait3A_121] : memref<4096x128xf32, #tpu.memory_space<hbm>> -> memref<128x128xf32, #tpu.memory_space<hbm>>
      %dma_wait3A_123 = arith.constant 0 : i32
      %dma_wait3A_124 = arith.constant 0 : i32
      %dma_wait3A_125 = tpu.memref_slice %arg18[%run_scoped3A, %dma_wait3A_123, %dma_wait3A_124] : memref<6x128x128xf32, #tpu.memory_space<vmem>> -> memref<1x128x128xf32, #tpu.memory_space<vmem>>
      %dma_wait3A_126 = tpu.memref_squeeze %dma_wait3A_125 : memref<1x128x128xf32, #tpu.memory_space<vmem>> -> memref<128x128xf32, #tpu.memory_space<vmem>>
      tpu.wait_dma2 semaphore(%run_scoped3A_102 : memref<!tpu.dma_semaphore, #tpu.memory_space<semaphore_mem>>) src(%dma_wait3A_126 : memref<128x128xf32, #tpu.memory_space<vmem>>) dst(%dma_wait3A_122 : memref<128x128xf32, #tpu.memory_space<hbm>>)
      tpu.yield
    }) : () -> ()
    %run_scoped3A_97 = arith.constant 1 : i32
    "tpu.region"() ({
      %run_scoped3A_102 = tpu.sem_alloc : memref<!tpu.dma_semaphore, #tpu.memory_space<semaphore_mem>>
      %dma_start3A_103 = arith.constant 0 : i32
      %dma_start3A_104 = arith.constant 0 : i32
      %dma_start3A_105 = tpu.memref_slice %arg18[%run_scoped3A_97, %dma_start3A_103, %dma_start3A_104] : memref<6x128x128xf32, #tpu.memory_space<vmem>> -> memref<1x128x128xf32, #tpu.memory_space<vmem>>
      %dma_start3A_106 = tpu.memref_squeeze %dma_start3A_105 : memref<1x128x128xf32, #tpu.memory_space<vmem>> -> memref<128x128xf32, #tpu.memory_space<vmem>>
      %dma_start3A_107 = arith.constant 0 : i32
      %dma_start3A_108 = tpu.memref_slice %arg10[%mul3A_2, %dma_start3A_107] : memref<4096x128xf32, #tpu.memory_space<hbm>> -> memref<128x128xf32, #tpu.memory_space<hbm>>
      %dma_start3A_109 = arith.constant 0 : i32
      %dma_start3A_110 = tpu.memref_slice %arg10[%mul3A_2, %dma_start3A_109] : memref<4096x128xf32, #tpu.memory_space<hbm>> -> memref<128x128xf32, #tpu.memory_space<hbm>>
      %dma_start3A_111 = arith.constant 0 : i32
      %dma_start3A_112 = arith.constant 0 : i32
      %dma_start3A_113 = tpu.memref_slice %arg18[%run_scoped3A_97, %dma_start3A_111, %dma_start3A_112] : memref<6x128x128xf32, #tpu.memory_space<vmem>> -> memref<1x128x128xf32, #tpu.memory_space<vmem>>
      %dma_start3A_114 = tpu.memref_squeeze %dma_start3A_113 : memref<1x128x128xf32, #tpu.memory_space<vmem>> -> memref<128x128xf32, #tpu.memory_space<vmem>>
      tpu.enqueue_dma source(%dma_start3A_114 : memref<128x128xf32, #tpu.memory_space<vmem>>) target(%dma_start3A_110 : memref<128x128xf32, #tpu.memory_space<hbm>>) target_semaphore(%run_scoped3A_102 : memref<!tpu.dma_semaphore, #tpu.memory_space<semaphore_mem>>)
      %dma_wait3A_115 = arith.constant 0 : i32
      %dma_wait3A_116 = arith.constant 0 : i32
      %dma_wait3A_117 = tpu.memref_slice %arg18[%run_scoped3A_97, %dma_wait3A_115, %dma_wait3A_116] : memref<6x128x128xf32, #tpu.memory_space<vmem>> -> memref<1x128x128xf32, #tpu.memory_space<vmem>>
      %dma_wait3A_118 = tpu.memref_squeeze %dma_wait3A_117 : memref<1x128x128xf32, #tpu.memory_space<vmem>> -> memref<128x128xf32, #tpu.memory_space<vmem>>
      %dma_wait3A_119 = arith.constant 0 : i32
      %dma_wait3A_120 = tpu.memref_slice %arg10[%mul3A_2, %dma_wait3A_119] : memref<4096x128xf32, #tpu.memory_space<hbm>> -> memref<128x128xf32, #tpu.memory_space<hbm>>
      %dma_wait3A_121 = arith.constant 0 : i32
      %dma_wait3A_122 = tpu.memref_slice %arg10[%mul3A_2, %dma_wait3A_121] : memref<4096x128xf32, #tpu.memory_space<hbm>> -> memref<128x128xf32, #tpu.memory_space<hbm>>
      %dma_wait3A_123 = arith.constant 0 : i32
      %dma_wait3A_124 = arith.constant 0 : i32
      %dma_wait3A_125 = tpu.memref_slice %arg18[%run_scoped3A_97, %dma_wait3A_123, %dma_wait3A_124] : memref<6x128x128xf32, #tpu.memory_space<vmem>> -> memref<1x128x128xf32, #tpu.memory_space<vmem>>
      %dma_wait3A_126 = tpu.memref_squeeze %dma_wait3A_125 : memref<1x128x128xf32, #tpu.memory_space<vmem>> -> memref<128x128xf32, #tpu.memory_space<vmem>>
      tpu.wait_dma2 semaphore(%run_scoped3A_102 : memref<!tpu.dma_semaphore, #tpu.memory_space<semaphore_mem>>) src(%dma_wait3A_126 : memref<128x128xf32, #tpu.memory_space<vmem>>) dst(%dma_wait3A_122 : memref<128x128xf32, #tpu.memory_space<hbm>>)
      tpu.yield
    }) : () -> ()
    %run_scoped3A_98 = arith.constant 2 : i32
    "tpu.region"() ({
      %run_scoped3A_102 = tpu.sem_alloc : memref<!tpu.dma_semaphore, #tpu.memory_space<semaphore_mem>>
      %dma_start3A_103 = arith.constant 0 : i32
      %dma_start3A_104 = arith.constant 0 : i32
      %dma_start3A_105 = tpu.memref_slice %arg18[%run_scoped3A_98, %dma_start3A_103, %dma_start3A_104] : memref<6x128x128xf32, #tpu.memory_space<vmem>> -> memref<1x128x128xf32, #tpu.memory_space<vmem>>
      %dma_start3A_106 = tpu.memref_squeeze %dma_start3A_105 : memref<1x128x128xf32, #tpu.memory_space<vmem>> -> memref<128x128xf32, #tpu.memory_space<vmem>>
      %dma_start3A_107 = arith.constant 0 : i32
      %dma_start3A_108 = tpu.memref_slice %arg11[%mul3A_2, %dma_start3A_107] : memref<4096x128xf32, #tpu.memory_space<hbm>> -> memref<128x128xf32, #tpu.memory_space<hbm>>
      %dma_start3A_109 = arith.constant 0 : i32
      %dma_start3A_110 = tpu.memref_slice %arg11[%mul3A_2, %dma_start3A_109] : memref<4096x128xf32, #tpu.memory_space<hbm>> -> memref<128x128xf32, #tpu.memory_space<hbm>>
      %dma_start3A_111 = arith.constant 0 : i32
      %dma_start3A_112 = arith.constant 0 : i32
      %dma_start3A_113 = tpu.memref_slice %arg18[%run_scoped3A_98, %dma_start3A_111, %dma_start3A_112] : memref<6x128x128xf32, #tpu.memory_space<vmem>> -> memref<1x128x128xf32, #tpu.memory_space<vmem>>
      %dma_start3A_114 = tpu.memref_squeeze %dma_start3A_113 : memref<1x128x128xf32, #tpu.memory_space<vmem>> -> memref<128x128xf32, #tpu.memory_space<vmem>>
      tpu.enqueue_dma source(%dma_start3A_114 : memref<128x128xf32, #tpu.memory_space<vmem>>) target(%dma_start3A_110 : memref<128x128xf32, #tpu.memory_space<hbm>>) target_semaphore(%run_scoped3A_102 : memref<!tpu.dma_semaphore, #tpu.memory_space<semaphore_mem>>)
      %dma_wait3A_115 = arith.constant 0 : i32
      %dma_wait3A_116 = arith.constant 0 : i32
      %dma_wait3A_117 = tpu.memref_slice %arg18[%run_scoped3A_98, %dma_wait3A_115, %dma_wait3A_116] : memref<6x128x128xf32, #tpu.memory_space<vmem>> -> memref<1x128x128xf32, #tpu.memory_space<vmem>>
      %dma_wait3A_118 = tpu.memref_squeeze %dma_wait3A_117 : memref<1x128x128xf32, #tpu.memory_space<vmem>> -> memref<128x128xf32, #tpu.memory_space<vmem>>
      %dma_wait3A_119 = arith.constant 0 : i32
      %dma_wait3A_120 = tpu.memref_slice %arg11[%mul3A_2, %dma_wait3A_119] : memref<4096x128xf32, #tpu.memory_space<hbm>> -> memref<128x128xf32, #tpu.memory_space<hbm>>
      %dma_wait3A_121 = arith.constant 0 : i32
      %dma_wait3A_122 = tpu.memref_slice %arg11[%mul3A_2, %dma_wait3A_121] : memref<4096x128xf32, #tpu.memory_space<hbm>> -> memref<128x128xf32, #tpu.memory_space<hbm>>
      %dma_wait3A_123 = arith.constant 0 : i32
      %dma_wait3A_124 = arith.constant 0 : i32
      %dma_wait3A_125 = tpu.memref_slice %arg18[%run_scoped3A_98, %dma_wait3A_123, %dma_wait3A_124] : memref<6x128x128xf32, #tpu.memory_space<vmem>> -> memref<1x128x128xf32, #tpu.memory_space<vmem>>
      %dma_wait3A_126 = tpu.memref_squeeze %dma_wait3A_125 : memref<1x128x128xf32, #tpu.memory_space<vmem>> -> memref<128x128xf32, #tpu.memory_space<vmem>>
      tpu.wait_dma2 semaphore(%run_scoped3A_102 : memref<!tpu.dma_semaphore, #tpu.memory_space<semaphore_mem>>) src(%dma_wait3A_126 : memref<128x128xf32, #tpu.memory_space<vmem>>) dst(%dma_wait3A_122 : memref<128x128xf32, #tpu.memory_space<hbm>>)
      tpu.yield
    }) : () -> ()
    %run_scoped3A_99 = arith.constant 3 : i32
    "tpu.region"() ({
      %run_scoped3A_102 = tpu.sem_alloc : memref<!tpu.dma_semaphore, #tpu.memory_space<semaphore_mem>>
      %dma_start3A_103 = arith.constant 0 : i32
      %dma_start3A_104 = arith.constant 0 : i32
      %dma_start3A_105 = tpu.memref_slice %arg18[%run_scoped3A_99, %dma_start3A_103, %dma_start3A_104] : memref<6x128x128xf32, #tpu.memory_space<vmem>> -> memref<1x128x128xf32, #tpu.memory_space<vmem>>
      %dma_start3A_106 = tpu.memref_squeeze %dma_start3A_105 : memref<1x128x128xf32, #tpu.memory_space<vmem>> -> memref<128x128xf32, #tpu.memory_space<vmem>>
      %dma_start3A_107 = arith.constant 0 : i32
      %dma_start3A_108 = tpu.memref_slice %arg12[%mul3A_2, %dma_start3A_107] : memref<4096x128xf32, #tpu.memory_space<hbm>> -> memref<128x128xf32, #tpu.memory_space<hbm>>
      %dma_start3A_109 = arith.constant 0 : i32
      %dma_start3A_110 = tpu.memref_slice %arg12[%mul3A_2, %dma_start3A_109] : memref<4096x128xf32, #tpu.memory_space<hbm>> -> memref<128x128xf32, #tpu.memory_space<hbm>>
      %dma_start3A_111 = arith.constant 0 : i32
      %dma_start3A_112 = arith.constant 0 : i32
      %dma_start3A_113 = tpu.memref_slice %arg18[%run_scoped3A_99, %dma_start3A_111, %dma_start3A_112] : memref<6x128x128xf32, #tpu.memory_space<vmem>> -> memref<1x128x128xf32, #tpu.memory_space<vmem>>
      %dma_start3A_114 = tpu.memref_squeeze %dma_start3A_113 : memref<1x128x128xf32, #tpu.memory_space<vmem>> -> memref<128x128xf32, #tpu.memory_space<vmem>>
      tpu.enqueue_dma source(%dma_start3A_114 : memref<128x128xf32, #tpu.memory_space<vmem>>) target(%dma_start3A_110 : memref<128x128xf32, #tpu.memory_space<hbm>>) target_semaphore(%run_scoped3A_102 : memref<!tpu.dma_semaphore, #tpu.memory_space<semaphore_mem>>)
      %dma_wait3A_115 = arith.constant 0 : i32
      %dma_wait3A_116 = arith.constant 0 : i32
      %dma_wait3A_117 = tpu.memref_slice %arg18[%run_scoped3A_99, %dma_wait3A_115, %dma_wait3A_116] : memref<6x128x128xf32, #tpu.memory_space<vmem>> -> memref<1x128x128xf32, #tpu.memory_space<vmem>>
      %dma_wait3A_118 = tpu.memref_squeeze %dma_wait3A_117 : memref<1x128x128xf32, #tpu.memory_space<vmem>> -> memref<128x128xf32, #tpu.memory_space<vmem>>
      %dma_wait3A_119 = arith.constant 0 : i32
      %dma_wait3A_120 = tpu.memref_slice %arg12[%mul3A_2, %dma_wait3A_119] : memref<4096x128xf32, #tpu.memory_space<hbm>> -> memref<128x128xf32, #tpu.memory_space<hbm>>
      %dma_wait3A_121 = arith.constant 0 : i32
      %dma_wait3A_122 = tpu.memref_slice %arg12[%mul3A_2, %dma_wait3A_121] : memref<4096x128xf32, #tpu.memory_space<hbm>> -> memref<128x128xf32, #tpu.memory_space<hbm>>
      %dma_wait3A_123 = arith.constant 0 : i32
      %dma_wait3A_124 = arith.constant 0 : i32
      %dma_wait3A_125 = tpu.memref_slice %arg18[%run_scoped3A_99, %dma_wait3A_123, %dma_wait3A_124] : memref<6x128x128xf32, #tpu.memory_space<vmem>> -> memref<1x128x128xf32, #tpu.memory_space<vmem>>
      %dma_wait3A_126 = tpu.memref_squeeze %dma_wait3A_125 : memref<1x128x128xf32, #tpu.memory_space<vmem>> -> memref<128x128xf32, #tpu.memory_space<vmem>>
      tpu.wait_dma2 semaphore(%run_scoped3A_102 : memref<!tpu.dma_semaphore, #tpu.memory_space<semaphore_mem>>) src(%dma_wait3A_126 : memref<128x128xf32, #tpu.memory_space<vmem>>) dst(%dma_wait3A_122 : memref<128x128xf32, #tpu.memory_space<hbm>>)
      tpu.yield
    }) : () -> ()
    %run_scoped3A_100 = arith.constant 4 : i32
    "tpu.region"() ({
      %run_scoped3A_102 = tpu.sem_alloc : memref<!tpu.dma_semaphore, #tpu.memory_space<semaphore_mem>>
      %dma_start3A_103 = arith.constant 0 : i32
      %dma_start3A_104 = arith.constant 0 : i32
      %dma_start3A_105 = tpu.memref_slice %arg18[%run_scoped3A_100, %dma_start3A_103, %dma_start3A_104] : memref<6x128x128xf32, #tpu.memory_space<vmem>> -> memref<1x128x128xf32, #tpu.memory_space<vmem>>
      %dma_start3A_106 = tpu.memref_squeeze %dma_start3A_105 : memref<1x128x128xf32, #tpu.memory_space<vmem>> -> memref<128x128xf32, #tpu.memory_space<vmem>>
      %dma_start3A_107 = arith.constant 0 : i32
      %dma_start3A_108 = tpu.memref_slice %arg13[%mul3A_2, %dma_start3A_107] : memref<4096x128xf32, #tpu.memory_space<hbm>> -> memref<128x128xf32, #tpu.memory_space<hbm>>
      %dma_start3A_109 = arith.constant 0 : i32
      %dma_start3A_110 = tpu.memref_slice %arg13[%mul3A_2, %dma_start3A_109] : memref<4096x128xf32, #tpu.memory_space<hbm>> -> memref<128x128xf32, #tpu.memory_space<hbm>>
      %dma_start3A_111 = arith.constant 0 : i32
      %dma_start3A_112 = arith.constant 0 : i32
      %dma_start3A_113 = tpu.memref_slice %arg18[%run_scoped3A_100, %dma_start3A_111, %dma_start3A_112] : memref<6x128x128xf32, #tpu.memory_space<vmem>> -> memref<1x128x128xf32, #tpu.memory_space<vmem>>
      %dma_start3A_114 = tpu.memref_squeeze %dma_start3A_113 : memref<1x128x128xf32, #tpu.memory_space<vmem>> -> memref<128x128xf32, #tpu.memory_space<vmem>>
      tpu.enqueue_dma source(%dma_start3A_114 : memref<128x128xf32, #tpu.memory_space<vmem>>) target(%dma_start3A_110 : memref<128x128xf32, #tpu.memory_space<hbm>>) target_semaphore(%run_scoped3A_102 : memref<!tpu.dma_semaphore, #tpu.memory_space<semaphore_mem>>)
      %dma_wait3A_115 = arith.constant 0 : i32
      %dma_wait3A_116 = arith.constant 0 : i32
      %dma_wait3A_117 = tpu.memref_slice %arg18[%run_scoped3A_100, %dma_wait3A_115, %dma_wait3A_116] : memref<6x128x128xf32, #tpu.memory_space<vmem>> -> memref<1x128x128xf32, #tpu.memory_space<vmem>>
      %dma_wait3A_118 = tpu.memref_squeeze %dma_wait3A_117 : memref<1x128x128xf32, #tpu.memory_space<vmem>> -> memref<128x128xf32, #tpu.memory_space<vmem>>
      %dma_wait3A_119 = arith.constant 0 : i32
      %dma_wait3A_120 = tpu.memref_slice %arg13[%mul3A_2, %dma_wait3A_119] : memref<4096x128xf32, #tpu.memory_space<hbm>> -> memref<128x128xf32, #tpu.memory_space<hbm>>
      %dma_wait3A_121 = arith.constant 0 : i32
      %dma_wait3A_122 = tpu.memref_slice %arg13[%mul3A_2, %dma_wait3A_121] : memref<4096x128xf32, #tpu.memory_space<hbm>> -> memref<128x128xf32, #tpu.memory_space<hbm>>
      %dma_wait3A_123 = arith.constant 0 : i32
      %dma_wait3A_124 = arith.constant 0 : i32
      %dma_wait3A_125 = tpu.memref_slice %arg18[%run_scoped3A_100, %dma_wait3A_123, %dma_wait3A_124] : memref<6x128x128xf32, #tpu.memory_space<vmem>> -> memref<1x128x128xf32, #tpu.memory_space<vmem>>
      %dma_wait3A_126 = tpu.memref_squeeze %dma_wait3A_125 : memref<1x128x128xf32, #tpu.memory_space<vmem>> -> memref<128x128xf32, #tpu.memory_space<vmem>>
      tpu.wait_dma2 semaphore(%run_scoped3A_102 : memref<!tpu.dma_semaphore, #tpu.memory_space<semaphore_mem>>) src(%dma_wait3A_126 : memref<128x128xf32, #tpu.memory_space<vmem>>) dst(%dma_wait3A_122 : memref<128x128xf32, #tpu.memory_space<hbm>>)
      tpu.yield
    }) : () -> ()
    %run_scoped3A_101 = arith.constant 5 : i32
    "tpu.region"() ({
      %run_scoped3A_102 = tpu.sem_alloc : memref<!tpu.dma_semaphore, #tpu.memory_space<semaphore_mem>>
      %dma_start3A_103 = arith.constant 0 : i32
      %dma_start3A_104 = arith.constant 0 : i32
      %dma_start3A_105 = tpu.memref_slice %arg18[%run_scoped3A_101, %dma_start3A_103, %dma_start3A_104] : memref<6x128x128xf32, #tpu.memory_space<vmem>> -> memref<1x128x128xf32, #tpu.memory_space<vmem>>
      %dma_start3A_106 = tpu.memref_squeeze %dma_start3A_105 : memref<1x128x128xf32, #tpu.memory_space<vmem>> -> memref<128x128xf32, #tpu.memory_space<vmem>>
      %dma_start3A_107 = arith.constant 0 : i32
      %dma_start3A_108 = tpu.memref_slice %arg14[%mul3A_2, %dma_start3A_107] : memref<4096x128xf32, #tpu.memory_space<hbm>> -> memref<128x128xf32, #tpu.memory_space<hbm>>
      %dma_start3A_109 = arith.constant 0 : i32
      %dma_start3A_110 = tpu.memref_slice %arg14[%mul3A_2, %dma_start3A_109] : memref<4096x128xf32, #tpu.memory_space<hbm>> -> memref<128x128xf32, #tpu.memory_space<hbm>>
      %dma_start3A_111 = arith.constant 0 : i32
      %dma_start3A_112 = arith.constant 0 : i32
      %dma_start3A_113 = tpu.memref_slice %arg18[%run_scoped3A_101, %dma_start3A_111, %dma_start3A_112] : memref<6x128x128xf32, #tpu.memory_space<vmem>> -> memref<1x128x128xf32, #tpu.memory_space<vmem>>
      %dma_start3A_114 = tpu.memref_squeeze %dma_start3A_113 : memref<1x128x128xf32, #tpu.memory_space<vmem>> -> memref<128x128xf32, #tpu.memory_space<vmem>>
      tpu.enqueue_dma source(%dma_start3A_114 : memref<128x128xf32, #tpu.memory_space<vmem>>) target(%dma_start3A_110 : memref<128x128xf32, #tpu.memory_space<hbm>>) target_semaphore(%run_scoped3A_102 : memref<!tpu.dma_semaphore, #tpu.memory_space<semaphore_mem>>)
      %dma_wait3A_115 = arith.constant 0 : i32
      %dma_wait3A_116 = arith.constant 0 : i32
      %dma_wait3A_117 = tpu.memref_slice %arg18[%run_scoped3A_101, %dma_wait3A_115, %dma_wait3A_116] : memref<6x128x128xf32, #tpu.memory_space<vmem>> -> memref<1x128x128xf32, #tpu.memory_space<vmem>>
      %dma_wait3A_118 = tpu.memref_squeeze %dma_wait3A_117 : memref<1x128x128xf32, #tpu.memory_space<vmem>> -> memref<128x128xf32, #tpu.memory_space<vmem>>
      %dma_wait3A_119 = arith.constant 0 : i32
      %dma_wait3A_120 = tpu.memref_slice %arg14[%mul3A_2, %dma_wait3A_119] : memref<4096x128xf32, #tpu.memory_space<hbm>> -> memref<128x128xf32, #tpu.memory_space<hbm>>
      %dma_wait3A_121 = arith.constant 0 : i32
      %dma_wait3A_122 = tpu.memref_slice %arg14[%mul3A_2, %dma_wait3A_121] : memref<4096x128xf32, #tpu.memory_space<hbm>> -> memref<128x128xf32, #tpu.memory_space<hbm>>
      %dma_wait3A_123 = arith.constant 0 : i32
      %dma_wait3A_124 = arith.constant 0 : i32
      %dma_wait3A_125 = tpu.memref_slice %arg18[%run_scoped3A_101, %dma_wait3A_123, %dma_wait3A_124] : memref<6x128x128xf32, #tpu.memory_space<vmem>> -> memref<1x128x128xf32, #tpu.memory_space<vmem>>
      %dma_wait3A_126 = tpu.memref_squeeze %dma_wait3A_125 : memref<1x128x128xf32, #tpu.memory_space<vmem>> -> memref<128x128xf32, #tpu.memory_space<vmem>>
      tpu.wait_dma2 semaphore(%run_scoped3A_102 : memref<!tpu.dma_semaphore, #tpu.memory_space<semaphore_mem>>) src(%dma_wait3A_126 : memref<128x128xf32, #tpu.memory_space<vmem>>) dst(%dma_wait3A_122 : memref<128x128xf32, #tpu.memory_space<hbm>>)
      tpu.yield
    }) : () -> ()
    return
  }
}

module attributes {stable_mosaic.version = 14 : i64} {
  func.func @_community_all_body(%arg0: i32, %arg1: memref<1001x6144xf32, #tpu.memory_space<vmem>>, %arg2: memref<384x1001xbf16, #tpu.memory_space<vmem>>, %arg3: memref<6144x128xf32, #tpu.memory_space<vmem>>) attributes {dimension_semantics = [#tpu.dimension_semantics<arbitrary>], iteration_bounds = array<i64: 17>, scalar_prefetch = 0 : i64, scratch_operands = 0 : i64, tpu.core_type = #tpu.core_type<tc>, window_params = [{transform_indices = @transform_0, window_bounds = array<i64: 1001, 6144>}, {pipeline_mode = #tpu.pipeline_mode<synchronous>, transform_indices = @transform_1, window_bounds = array<i64: 384, 1001>}, {transform_indices = @transform_2, window_bounds = array<i64: 6144, 128>}]} {
    %get3A = arith.constant 0 : index
    %get3A_0 = arith.constant 0 : index
    %get3A_1 = vector.load %arg1[%get3A, %get3A_0] : memref<1001x6144xf32, #tpu.memory_space<vmem>>, vector<1001x6144xf32>
    %convert_element_type3A = arith.truncf %get3A_1 : vector<1001x6144xf32> to vector<1001x6144xbf16>
    %get3A_2 = arith.constant 0 : index
    %get3A_3 = arith.constant 0 : index
    %get3A_4 = vector.load %arg2[%get3A_2, %get3A_3] : memref<384x1001xbf16, #tpu.memory_space<vmem>>, vector<384x1001xbf16>
    %dot_general3A = arith.constant dense<0.000000e+00> : vector<384x6144xf32>
    %dot_general3A_5 = tpu.matmul %get3A_4, %convert_element_type3A, %dot_general3A {dimension_numbers = #tpu.dot_dimension_numbers<[1], [0], [0], [1], [0, 0, 1, 1], [], []>, transpose_lhs_hint = false} : vector<384x1001xbf16>, vector<1001x6144xbf16>, vector<384x6144xf32> -> vector<384x6144xf32>
    %slice3A = vector.extract_strided_slice %dot_general3A_5 {offsets = [256, 0], sizes = [1, 6144], strides = [1, 1]} : vector<384x6144xf32> to vector<1x6144xf32>
    %slice3A_6 = vector.extract_strided_slice %dot_general3A_5 {offsets = [0, 0], sizes = [256, 6144], strides = [1, 1]} : vector<384x6144xf32> to vector<256x6144xf32>
    %div3A = vector.broadcast %slice3A : vector<1x6144xf32> to vector<256x6144xf32>
    %div3A_7 = arith.divf %slice3A_6, %div3A : vector<256x6144xf32>
    %transpose3A = tpu.transpose %div3A_7, [1, 0] : vector<256x6144xf32> -> vector<6144x256xf32>
    %convert_element_type3A_8 = arith.truncf %transpose3A : vector<6144x256xf32> to vector<6144x256xbf16>
    %slice3A_9 = vector.extract_strided_slice %convert_element_type3A_8 {offsets = [0, 0], sizes = [6144, 128], strides = [1, 1]} : vector<6144x256xbf16> to vector<6144x128xbf16>
    %bitcast_convert_type3A = tpu.bitcast %slice3A_9 : vector<6144x128xbf16> -> vector<6144x128xi16>
    %convert_element_type3A_10 = arith.extui %bitcast_convert_type3A : vector<6144x128xi16> to vector<6144x128xi32>
    %slice3A_11 = vector.extract_strided_slice %convert_element_type3A_8 {offsets = [0, 128], sizes = [6144, 128], strides = [1, 1]} : vector<6144x256xbf16> to vector<6144x128xbf16>
    %bitcast_convert_type3A_12 = tpu.bitcast %slice3A_11 : vector<6144x128xbf16> -> vector<6144x128xi16>
    %convert_element_type3A_13 = arith.extui %bitcast_convert_type3A_12 : vector<6144x128xi16> to vector<6144x128xi32>
    %shift_left3A = arith.constant 16 : i32
    %shift_left3A_14 = vector.broadcast %shift_left3A : i32 to vector<6144x128xi32>
    %shift_left3A_15 = arith.shli %convert_element_type3A_13, %shift_left3A_14 : vector<6144x128xi32>
    %or3A = arith.ori %convert_element_type3A_10, %shift_left3A_15 : vector<6144x128xi32>
    %bitcast_convert_type3A_16 = tpu.bitcast %or3A : vector<6144x128xi32> -> vector<6144x128xf32>
    %swap3A = arith.constant 0 : index
    %swap3A_17 = arith.constant 0 : index
    %swap3A_18 = vector.load %arg3[%swap3A, %swap3A_17] : memref<6144x128xf32, #tpu.memory_space<vmem>>, vector<6144x128xf32>
    tpu.vector_store %arg3[%swap3A, %swap3A_17], %bitcast_convert_type3A_16 {strides = array<i32>} : memref<6144x128xf32, #tpu.memory_space<vmem>>, vector<6144x128xf32>,
    return
  }
  func.func @transform_0(%arg0: i32) -> (i32, i32) {
    %c0_i32 = arith.constant 0 : i32
    %c0_i32_0 = arith.constant 0 : i32
    return %c0_i32, %arg0 : i32, i32
  }
  func.func @transform_1(%arg0: i32) -> (i32, i32) {
    %c0_i32 = arith.constant 0 : i32
    %c0_i32_0 = arith.constant 0 : i32
    %c0_i32_1 = arith.constant 0 : i32
    return %c0_i32, %c0_i32_0 : i32, i32
  }
  func.func @transform_2(%arg0: i32) -> (i32, i32) {
    %c0_i32 = arith.constant 0 : i32
    %c0_i32_0 = arith.constant 0 : i32
    return %arg0, %c0_i32 : i32, i32
  }
}

</mosaic_0001>

<sc_bundles>
// kernel: kernel.5.cloned.1.call-start
scs
__scs_entry_jumppad:
0x0: {  	(pc) =	sbr.rel $0x88, $3  }
0x1: {  	(tag) =	ssettag $0x0;
	lr =	simm.s32 $0x1  }
0x2: {  	[smem:$0x3F99] =	sst lr;
	_ =	strace $0xD0000000  }
0x3: {  	_ = 	snop  }
0x4: {  	_ = 	snop  }
0x5: {  	_ = 	snop  }
0x6: {  	_ = 	snop  }
0x7: {  	_ = 	snop  }
__scs_overlays_trampoline_lowered:
0x8: {  	[smem:$0x3FA8] =	sst s0  }
0x9: {  	[smem:$0x3FA9] =	sst s1  }
0xa: {  	[smem:$0x3FAA] =	sst s2  }
0xb: {  	[smem:$0x3FAB] =	sst s3  }
0xc: {  	[smem:$0x3FAC] =	sst s4  }
0xd: {  	[smem:$0x3FAD] =	sst s5  }
0xe: {  	[smem:$0x3FAE] =	sst s6  }
0xf: {  	[smem:$0x3FAF] =	sst s7  }
0x10: {  	[smem:$0x3FB0] =	sst s8  }
0x11: {  	[smem:$0x3FB1] =	sst s9;
	s0 =	simm.s32 @!p0 $0x0  }
0x12: {  	s1 =	sld [smem:$0x3F97];
	s0 =	simm.s32 @p0 $0x1  }
0x13: {  	[smem:$0x3FB2] =	sst s0;
	s0 =	simm.s32 @!p1 $0x0  }
0x14: {  	s2 =	sld [smem:$0x3F96];
	s0 =	simm.s32 @p1 $0x1  }
0x15: {  	[smem:$0x3FB3] =	sst s0;
	s0 =	simm.s32 @!p2 $0x0  }
0x16: {  	s3 =	sld [smem:$0x3FDB];
	s0 =	simm.s32 @p2 $0x1  }
0x17: {  	s4 =	simm.s32 $0x1BF5;
	[smem:$0x3FB5] =	sst s0  }
0x18: {  	s0 =	sld [smem:$0x3F98];
	_ =	swait.ge [sflag:s4], $0x0  }
0x19: {  	s7 =	sld [smem:$0x3F99]  }
0x1a: {  	s8 =	sadd.s32 $0xFFFFE003, lr  }
0x1b: {  	s9 =	sadd.s32 $0xFFFFFEF7, lr;
	s5 =	simm.s32 $0xFFFFFFFF;
	p2 =	slt.u32 s8, $0xFFFFF086  }
0x1c: {  	p1 =	slt.u32 s9, $0xF7A;
	s5 =	simm.s32 @!p2 $0x0  }
0x1d: {  	s5 =	simm.s32 @p1 $0x1;
	p0 =	seq.s32 s7, s2  }
0x1e: {  	s7 =	smul.u32 @!p0 $0xF7A, s2;
	p2 =	seq.s32 @!p0 s5, $0x0  }
0x1f: {  	s9 =	smul.u32 $0xF7A, s1;
	s8 =	simm.s32 @!p0 $0x1BF5;
	p2 =	por !p2, p0  }
0x20: {  	[sflag:s8] =	ssyncset.s32 @!p0 $0xFFFFF086;
	s6 =	sadd.s32 @!p0 s3, s7;
	s7 =	simm.s32 @!p0 $0x108  }
0x21: {  	s3 =	sadd.s32 s3, s9;
	s6 =	sadd.s32 @!p0 $0x88, s6;
	s7 =	simm.s32 @p2 $0x1082  }
0x22: {  	[simem:s7], [sflag:s8] =	dma.local @!p0 [hbm:s6], $0xF7A  }
0x23: {  	s9 =	sor.u32 $0xD0000000, s2;
	s6 =	simm.s32 $0x108;
	_ =	swait.ge @!p0 [sflag:s8], $0x0  }
0x24: {  	s3 =	sadd.s32 $0x88, s3;
	s6 =	simm.s32 @!p1 $0x1082;
	[sflag:s4] =	ssyncset.s32 $0xFFFFF086  }
0x25: {  	[simem:s6], [sflag:s4] =	dma.local [hbm:s3], $0xF7A  }
0x26: {  	[smem:$0x3F99] =	sst s1;
	(tag) =	ssettag s2;
	_ =	strace s9  }
0x27: {  	s1 =	sld [smem:$0x3FA9]  }
0x28: {  	s2 =	sld [smem:$0x3FAA]  }
0x29: {  	s4 =	sld [smem:$0x3FAC]  }
0x2a: {  	p0 =	seq.s32 s5, $0x0;
	s5 =	sld [smem:$0x3FAD]  }
0x2b: {  	s6 =	sld [smem:$0x3FAE]  }
0x2c: {  	s7 =	sld [smem:$0x3FAF]  }
0x2d: {  	s3 =	simm.s32 $0x108;
	s8 =	sld [smem:$0x3FB0]  }
0x2e: {  	s3 =	simm.s32 @!p0 $0x1082;
	s9 =	sld [smem:$0x3FB1]  }
0x2f: {  	lr =	sadd.s32 s0, s3;
	s0 =	sld [smem:$0x3FA8]  }
0x30: {  	s3 =	sld [smem:$0x3FAB]  }
0x31: {  	[smem:$0x3FB4] =	sst s10  }
0x32: {  	s10 =	sld [smem:$0x3FB2];
	_ =	sdelay $0x3  }
0x33: {  	p0 =	seq.s32 s10, $0x1;
	s10 =	sld [smem:$0x3FB4];
	_ =	sdelay $0x3  }
0x34: {  	[smem:$0x3FB4] =	sst s10  }
0x35: {  	s10 =	sld [smem:$0x3FB3];
	_ =	sdelay $0x3  }
0x36: {  	p1 =	seq.s32 s10, $0x1;
	s10 =	sld [smem:$0x3FB4];
	_ =	sdelay $0x3  }
0x37: {  	[smem:$0x3FB4] =	sst s10  }
0x38: {  	s10 =	sld [smem:$0x3FB5]  }
0x39: {  	_ = 	snop;
	(pc) =	sbr.ind lr, $3  }
0x3a: {  	_ = 	snop  }
0x3b: {  	_ = 	snop  }
0x3c: {  	p2 =	seq.s32 s10, $0x1;
	s10 =	sld [smem:$0x3FB4]  }
0x3d: {  	_ =	shalt  }
0x3e: {  	_ =	shalt  }
0x3f: {  	_ =	shalt  }
0x40: {  	_ =	shalt  }
0x41: {  	_ =	shalt  }
0x42: {  	_ =	shalt  }
0x43: {  	_ =	shalt  }
0x44: {  	_ =	shalt  }
0x45: {  	_ =	shalt  }
0x46: {  	_ =	shalt  }
0x47: {  	_ =	shalt  }
0x48: {  	_ =	shalt  }
0x49: {  	_ =	shalt  }
0x4a: {  	_ =	shalt  }
0x4b: {  	_ =	shalt  }
0x4c: {  	_ =	shalt  }
0x4d: {  	_ =	shalt  }
0x4e: {  	_ =	shalt  }
0x4f: {  	_ =	shalt  }
0x50: {  	_ =	shalt  }
0x51: {  	_ =	shalt  }
0x52: {  	_ =	shalt  }
0x53: {  	_ =	shalt  }
0x54: {  	_ =	shalt  }
0x55: {  	_ =	shalt  }
0x56: {  	_ =	shalt  }
0x57: {  	_ =	shalt  }
0x58: {  	_ =	shalt  }
0x59: {  	_ =	shalt  }
0x5a: {  	_ =	shalt  }
0x5b: {  	_ =	shalt  }
0x5c: {  	_ =	shalt  }
0x5d: {  	_ =	shalt  }
0x5e: {  	_ =	shalt  }
0x5f: {  	_ =	shalt  }
0x60: {  	_ =	shalt  }
0x61: {  	_ =	shalt  }
0x62: {  	_ =	shalt  }
0x63: {  	_ =	shalt  }
0x64: {  	_ =	shalt  }
0x65: {  	_ =	shalt  }
0x66: {  	_ =	shalt  }
0x67: {  	_ =	shalt  }
0x68: {  	_ =	shalt  }
0x69: {  	_ =	shalt  }
0x6a: {  	_ =	shalt  }
0x6b: {  	_ =	shalt  }
0x6c: {  	_ =	shalt  }
0x6d: {  	_ =	shalt  }
0x6e: {  	_ =	shalt  }
0x6f: {  	_ =	shalt  }
0x70: {  	_ =	shalt  }
0x71: {  	_ =	shalt  }
0x72: {  	_ =	shalt  }
0x73: {  	_ =	shalt  }
0x74: {  	_ =	shalt  }
0x75: {  	_ =	shalt  }
0x76: {  	_ =	shalt  }
0x77: {  	_ =	shalt  }
0x78: {  	_ =	shalt  }
0x79: {  	_ =	shalt  }
0x7a: {  	_ =	shalt  }
0x7b: {  	_ =	shalt  }
0x7c: {  	_ =	shalt  }
0x7d: {  	_ =	shalt  }
0x7e: {  	_ =	shalt  }
0x7f: {  	_ =	shalt  }
0x80: {  	_ =	shalt  }
0x81: {  	_ =	shalt  }
0x82: {  	_ =	shalt  }
0x83: {  	_ =	shalt  }
0x84: {  	_ =	shalt  }
0x85: {  	_ =	shalt  }
0x86: {  	_ =	shalt  }
0x87: {  	_ =	shalt  }
.Lfunc_end0:
.L_simem_size_0:
called_computation_lowered:
.L_overlay_start_0:
0x88: {  	s2 =	sld [smem:$0x3FD9]  }
0x89: {  	s3 =	sld [smem:$0x3FFE];
	_ =	sdelay $0x1  }
0x8a: {  	s1 =	srdreg.scid  }
0x8b: {  	s0 =	sand.u32 $0x1, s1  }
0x8c: {  	s28 =	sshll.u32 s0, $0xA;
	s2 =	sadd.s32 s3, s2  }
0x8d: {  	s2 =	sadd.s32 s2, s28  }
0x8e: {  	[smem:$0x3FC0] =	sst s2  }
0x8f: {  	_ = 	snop  }
0x90: {  	s2 =	sld [smem:$0x3FC9]  }
0x91: {  	s29 =	sld [smem:$0x3FC8]  }
0x92: {  	s4 =	sld [smem:$0x3FC7]  }
0x93: {  	s5 =	sld [smem:$0x3FC6]  }
0x94: {  	s9 =	sld [smem:$0x3FD0]  }
0x95: {  	s6 =	sld [smem:$0x3FC5]  }
0x96: {  	s8 =	sld [smem:$0x3FC4]  }
0x97: {  	s15 =	simm.s32 $0xB;
	s10 =	simm.s32 $0x10;
	s7 =	sld [smem:$0x3FC3]  }
0x98: {  	[smem:s10], [sflag:s15] =	dma.local [hbm:s9], $0x1  }
0x99: {  	_ =	swait.eq [sflag:s15], $0x1  }
0x9a: {  	s12 =	sld [smem:$0x10]  }
0x9b: {  	s30 =	sld [smem:$0x11]  }
0x9c: {  	s11 =	sld [smem:$0x12]  }
0x9d: {  	s14 =	sld [smem:$0x14];
	[sflag:s15] =	ssyncset.done $0x0  }
0x9e: {  	s13 =	sld [smem:$0x15];
	[sflag:s15] =	ssyncadd.s32 $0xFFFFFFFF  }
0x9f: {  	s31 =	sld [smem:$0x16];
	(tm) =	ssettm $0x1  }
0xa0: {  	s20 =	sld [smem:$0x3FFB];
	_ =	sdelay $0x3  }
0xa1: {  	_ =	strace s20  }
0xa2: {  	s9 =	sld [smem:$0x3FFC];
	_ =	sdelay $0x3  }
0xa3: {  	_ =	strace s9  }
0xa4: {  	s9 =	sld [smem:$0x3FFD];
	_ =	sdelay $0x3  }
0xa5: {  	_ =	strace s9  }
0xa6: {  	_ =	strace $0x8FFFFFFF  }
0xa7: {  	s21 =	sld [smem:$0x3FDB];
	_ =	sdelay $0x1  }
0xa8: {  	s16 =	simm.s32 $_scs_section_size  }
0xa9: {  	s17 =	simm.s32 $_size__tile_overlayer_lowered;
	s18 =	simm.s32 $_tile_overlayer_lowered  }
0xaa: {  	s19 =	simm.s32 $0x1BFF;
	s22 =	sshll.u32 s18, $0x1;
	s16 =	sadd.s32 s16, s21  }
0xab: {  	s23 =	simm.s32 $0x0;
	s17 =	sshll.u32 s17, $0x1;
	s18 =	sadd.s32 s22, s16  }
0xac: {  	[timem:s23], [sflag:s19] =	dma.local [hbm:s18], s17  }
0xad: {  	_ =	swait.ge [sflag:s19], s17  }
0xae: {  	s17 =	ssub.s32 $0x0, s17;
	[sflag:s19] =	ssyncset.done $0x0  }
0xaf: {  	[sflag:s19] =	ssyncadd.s32 s17;
	_ =	sdelay $0x1  }
0xb0: {  	s24 =	simm.s32 $0x1B8B  }
0xb1: {  	_ =	swait.ge [sflag:s24], $0x1  }
0xb2: {  	[sflag:s24] =	ssyncset.done $0x0  }
0xb3: {  	[sflag:s24] =	ssyncadd.s32 $0xFFFFFFFF  }
0xb4: {  	s17 =	sld [smem:$0x0]  }
0xb5: {  	s18 =	sand.u32 $0xFFFFFFFE, s1  }
0xb6: {  	p0 =	sne.s32 s1, s18  }
0xb7: {  	s18 =	sshll.u32 @p0 s18, $0xE  }
0xb8: {  	s18 =	sadd.s32 @p0 $0x11B8D, s18;
	s19 =	sshll.u32 @p0 s17, $0x11  }
0xb9: {  	s18 =	sor.u32 @p0 s19, s18  }
0xba: {  	[sflag:s18] =	ssyncadd.remote.s32 @p0 $0x1;
	_ =	sdelay $0x1  }
0xbb: {  	s18 =	simm.s32 @p0 $0x1B8D  }
0xbc: {  	_ =	swait.eq @p0 [sflag:s18], $0x1  }
0xbd: {  	[sflag:s18] =	ssyncadd.s32 @p0 $0xFFFFFFFF  }
0xbe: {  	s19 =	sshll.u32 @!p0 s1, $0xE  }
0xbf: {  	s19 =	sor.u32 @!p0 $0x4000, s19;
	s18 =	simm.s32 @!p0 $0x1B8D  }
0xc0: {  	s17 =	sshll.u32 @!p0 s17, $0x11;
	s19 =	sadd.s32 @!p0 $0x11B8D, s19;
	_ =	swait.eq @!p0 [sflag:s18], $0x1  }
0xc1: {  	s17 =	sor.u32 @!p0 s17, s19;
	[sflag:s18] =	ssyncadd.s32 @!p0 $0xFFFFFFFF  }
0xc2: {  	s25 =	simm.s32 $0x1B8E;
	[sflag:s17] =	ssyncadd.remote.s32 @!p0 $0x1  }
0xc3: {  	s26 =	simm.s32 $execute0_lowered;
	[smem:$0x3FD2] =	sst s25  }
0xc4: {  	s17 =	sshll.u32 s26, $0x1;
	_ =	strace $0x80000049;
	[dreg:$0x1] =	wrdreg $0xFFFFFFFF  }
0xc5: {  	s28 =	simm.s32 $_size_execute0_lowered;
	s16 =	sadd.s32 s16, s17;
	[dreg:$0x0] =	wrdreg $0x0  }
0xc6: {  	s17 =	sshll.u32 s28, $0x1;
	[dreg:$0x2] =	wrdreg s16  }
0xc7: {  	[dreg:$0x3] =	wrdreg s17  }
0xc8: {  	[dreg:$0x4] =	wrdreg $0xC0  }
0xc9: {  	_ =	task [dreg:s23], $0x5FFFF  }
0xca: {  	[dreg:$0x1] =	wrdreg $0xFFFFFFFF  }
0xcb: {  	[dreg:$0x0] =	wrdreg $0x60  }
0xcc: {  	[dreg:$0x2] =	wrdreg s2  }
0xcd: {  	[dreg:$0x3] =	wrdreg s29  }
0xce: {  	[dreg:$0x4] =	wrdreg s4  }
0xcf: {  	[dreg:$0x5] =	wrdreg s5  }
0xd0: {  	[dreg:$0x6] =	wrdreg s8  }
0xd1: {  	[dreg:$0x7] =	wrdreg s6  }
0xd2: {  	[dreg:$0x8] =	wrdreg s7  }
0xd3: {  	[dreg:$0x9] =	wrdreg s12  }
0xd4: {  	[dreg:$0xa] =	wrdreg s14  }
0xd5: {  	[dreg:$0xb] =	wrdreg s30  }
0xd6: {  	[dreg:$0xc] =	wrdreg s11  }
0xd7: {  	[dreg:$0xd] =	wrdreg s13  }
0xd8: {  	[dreg:$0xe] =	wrdreg s31  }
0xd9: {  	[dreg:$0xf] =	wrdreg $0x9  }
0xda: {  	_ =	task.clear_ibuf [dreg:s23], $0x10FFFF;
	_ =	strace $0x90000049  }
0xdb: {  	s29 =	simm.s32 $0x9;
	_ =	strace $0x8000004B  }
0xdc: {  	_ =	swait.ge [sflag:s29], $0x1  }
0xdd: {  	[sflag:s29] =	ssyncadd.s32 $0xFFFFFFFF  }
0xde: {  	_ =	strace $0x9000004B  }
0xdf: {  	_ =	sfence  }
0xe0: {  	s30 =	sld [smem:$0x0];
	_ =	sdelay $0x2  }
0xe1: {  	s31 =	sshll.u32 s1, $0xD;
	s1 =	sshrl.u32 s1, $0x2  }
0xe2: {  	s3 =	sand.u32 $0x4000, s31;
	s1 =	sadd.s32 s1, s30  }
0xe3: {  	s0 =	sor.u32 s3, s0;
	s1 =	sshll.u32 s1, $0x11  }
0xe4: {  	s0 =	sor.u32 s1, s0  }
0xe5: {  	s0 =	sadd.s32 $0x8F2B, s0  }
0xe6: {  	[sflag:s0] =	ssyncadd.remote.s32 $0x1  }
0xe7: {  	_ =	sfence.sel $0xFFFF  }
0xe8: {  	[dreg:$0x0] =	wrdreg $0xFFFFFFFF;
	(pc) =	sbr.abs _section_cstart, $3  }
0xe9: {  	[dreg:$0x1] =	wrdreg $0xFFFFFFFF  }
0xea: {  	_ =	task.clear_ibuf [dreg:s23], $0x2FFFF;
	_ =	strace $0x9FFFFFFF  }
0xeb: {  	(tm) =	ssettm $0x7FFFFFFF  }
tec
execute0_lowered:
.L_overlay_start_1:
0x0: {  	(tag) =	ssettag $0x1  }
0x1: {  	s7 =	rddreg [dreg:$0x0]  }
0x2: {  	s9 =	rddreg [dreg:$0x1]  }
0x3: {  	s11 =	rddreg [dreg:$0x2]  }
0x4: {  	s0 =	rddreg [dreg:$0x3]  }
0x5: {  	s1 =	rddreg [dreg:$0x4]  }
0x6: {  	s2 =	rddreg [dreg:$0x5]  }
0x7: {  	s3 =	rddreg [dreg:$0x6]  }
0x8: {  	s20 =	rddreg [dreg:$0x7]  }
0x9: {  	s21 =	rddreg [dreg:$0x8]  }
0xa: {  	s22 =	rddreg [dreg:$0x9]  }
0xb: {  	s23 =	rddreg [dreg:$0xa];
	s5 =	srdreg.scid  }
0xc: {  	s24 =	rddreg [dreg:$0xb];
	s4 =	stileid.u32;
	s26 =	sand.u32 $0x1, s5  }
0xd: {  	s25 =	rddreg [dreg:$0xc];
	s8 =	sshll.u32 s4, $0x8;
	s10 =	sshll.u32 s26, $0x7  }
0xe: {  	s6 =	simm.s32 $0x0;
	s5 =	rddreg [dreg:$0xd];
	s28 =	sor.u32 s10, s8  }
0xf: {  	[smem:$0x7FF] =	sst s6;
	s12 =	sshrl.u32 s28, $0x3  }
0x10: {  	_ =	strace $0x8000004A;
	s8 =	sadd.s32 s7, s12;
	s7 =	simm.s32 $0x2  }
0x11: {  	[tilespmem:s6], [sflag:$0x2] =	stream.linear.gather [hbm4b:s8+s6], $0x80, $0x38;
	[tilespmem:$0x18180] =	vst v63  }
0x12: {  	_ =	swait.ge [sflag:s7], $0x80  }
0x13: {  	[sflag:s7] =	ssyncset.done $0x0  }
0x14: {  	s10 =	simm.s32 $0x80;
	s9 =	sadd.s32 s9, s12;
	[sflag:s7] =	ssyncadd.s32 $0xFFFFFF80  }
0x15: {  	[tilespmem:s10], [sflag:$0x2] =	stream.linear.gather [hbm4b:s9+s6], $0x80, $0x38;
	[tilespmem:$0x18180] =	vst v63  }
0x16: {  	_ =	swait.ge [sflag:s7], $0x80  }
0x17: {  	[sflag:s7] =	ssyncset.done $0x0  }
0x18: {  	s11 =	sadd.s32 s11, s12;
	s12 =	simm.s32 $0x100;
	[sflag:s7] =	ssyncadd.s32 $0xFFFFFF80  }
0x19: {  	[tilespmem:s12], [sflag:$0x2] =	stream.linear.gather [hbm4b:s11+s6], $0x80, $0x38;
	[tilespmem:$0x18180] =	vst v63  }
0x1a: {  	_ =	swait.ge [sflag:s7], $0x80  }
0x1b: {  	[sflag:s7] =	ssyncset.done $0x0  }
0x1c: {  	s13 =	simm.s32 $0x180;
	[sflag:s7] =	ssyncadd.s32 $0xFFFFFF80  }
0x1d: {  	[tilespmem:s13], [sflag:$0x1] =	stream.indirect.gather [hbm4b:s0+s10], $0x80, s6, s10, $0xb8;
	[tilespmem:$0x18180] =	vst v63  }
0x1e: {  	s14 =	simm.s32 $0x4180  }
0x1f: {  	[tilespmem:s14], [sflag:$0x1] =	stream.indirect.gather [hbm4b:s1+s10], $0x80, s6, s10, $0xb8;
	[tilespmem:$0x18180] =	vst v63  }
0x20: {  	s15 =	simm.s32 $0x8180  }
0x21: {  	[tilespmem:s15], [sflag:$0x1] =	stream.indirect.gather [hbm4b:s2+s10], $0x80, s10, s10, $0xb8;
	[tilespmem:$0x18180] =	vst v63  }
0x22: {  	s16 =	simm.s32 $0xC180  }
0x23: {  	[tilespmem:s16], [sflag:$0x1] =	stream.indirect.gather [hbm4b:s2+s10], $0x80, s12, s10, $0xb8;
	[tilespmem:$0x18180] =	vst v63  }
0x24: {  	s17 =	simm.s32 $0x10180  }
0x25: {  	[tilespmem:s17], [sflag:$0x1] =	stream.indirect.gather [hbm4b:s3+s10], $0x80, s10, s10, $0xb8;
	[tilespmem:$0x18180] =	vst v63  }
0x26: {  	s18 =	simm.s32 $0x14180;
	s19 =	simm.s32 $0x1  }
0x27: {  	[tilespmem:s18], [sflag:$0x1] =	stream.indirect.gather [hbm4b:s3+s10], $0x80, s12, s10, $0xb8;
	[tilespmem:$0x18180] =	vst v63  }
0x28: {  	_ =	swait.ge [sflag:s19], $0x4000  }
0x29: {  	[sflag:s19] =	ssyncset.done $0x0  }
0x2a: {  	[sflag:s19] =	ssyncadd.s32 $0xFFFFC000  }
0x2b: {  	_ =	swait.ge [sflag:s19], $0x4000  }
0x2c: {  	[sflag:s19] =	ssyncset.done $0x0  }
0x2d: {  	[sflag:s19] =	ssyncadd.s32 $0xFFFFC000  }
0x2e: {  	_ =	swait.ge [sflag:s19], $0x4000  }
0x2f: {  	[sflag:s19] =	ssyncset.done $0x0  }
0x30: {  	[sflag:s19] =	ssyncadd.s32 $0xFFFFC000  }
0x31: {  	_ =	swait.ge [sflag:s19], $0x4000  }
0x32: {  	[sflag:s19] =	ssyncset.done $0x0  }
0x33: {  	[sflag:s19] =	ssyncadd.s32 $0xFFFFC000  }
0x34: {  	_ =	swait.ge [sflag:s19], $0x4000  }
0x35: {  	[sflag:s19] =	ssyncset.done $0x0  }
0x36: {  	[sflag:s19] =	ssyncadd.s32 $0xFFFFC000  }
0x37: {  	_ =	swait.ge [sflag:s19], $0x4000  }
0x38: {  	s28 =	sshll.u32 s28, $0x4;
	[sflag:s19] =	ssyncset.done $0x0  }
0x39: {  	s20 =	sadd.s32 s20, s28;
	[sflag:s19] =	ssyncadd.s32 $0xFFFFC000  }
0x3a: {  	[hbm4b:s20+s6] =	stream.linear.scatter [tilespmem:s13], [sflag:$0x2], $0x4000, $0x38;
	[tilespmem:$0x18180] =	vst v63  }
0x3b: {  	_ =	swait.ge [sflag:s7], $0x4000  }
0x3c: {  	[sflag:s7] =	ssyncset.done $0x0  }
0x3d: {  	s21 =	sadd.s32 s21, s28;
	[sflag:s7] =	ssyncadd.s32 $0xFFFFC000  }
0x3e: {  	[hbm4b:s21+s6] =	stream.linear.scatter [tilespmem:s14], [sflag:$0x2], $0x4000, $0x38;
	[tilespmem:$0x18180] =	vst v63  }
0x3f: {  	_ =	swait.ge [sflag:s7], $0x4000  }
0x40: {  	[sflag:s7] =	ssyncset.done $0x0  }
0x41: {  	s22 =	sadd.s32 s22, s28;
	[sflag:s7] =	ssyncadd.s32 $0xFFFFC000  }
0x42: {  	[hbm4b:s22+s6] =	stream.linear.scatter [tilespmem:s15], [sflag:$0x2], $0x4000, $0x38;
	[tilespmem:$0x18180] =	vst v63  }
0x43: {  	_ =	swait.ge [sflag:s7], $0x4000  }
0x44: {  	[sflag:s7] =	ssyncset.done $0x0  }
0x45: {  	s26 =	ssub.s32 $0x2, s26;
	s23 =	sadd.s32 s23, s28;
	[sflag:s7] =	ssyncadd.s32 $0xFFFFC000  }
0x46: {  	[hbm4b:s23+s6] =	stream.linear.scatter [tilespmem:s16], [sflag:$0x2], $0x4000, $0x38;
	[tilespmem:$0x18180] =	vst v63  }
0x47: {  	s29 =	sshrl.u32 s26, $0x1;
	_ =	swait.ge [sflag:s7], $0x4000  }
0x48: {  	s26 =	ssub.s32 s26, s29;
	[sflag:s7] =	ssyncset.done $0x0  }
0x49: {  	s24 =	sadd.s32 s24, s28;
	s26 =	smax.u32 s26, $0x1;
	[sflag:s7] =	ssyncadd.s32 $0xFFFFC000  }
0x4a: {  	[hbm4b:s24+s6] =	stream.linear.scatter [tilespmem:s17], [sflag:$0x2], $0x4000, $0x38;
	[tilespmem:$0x18180] =	vst v63  }
0x4b: {  	p0 =	sne.s32 s26, $0x1;
	_ =	swait.ge [sflag:s7], $0x4000  }
.Ltmp0:
0x4c: {  	[sflag:s7] =	ssyncset.done $0x0;
	(pc) =	sbr.rel @!p0 .LBB2_2-.Ltmp0, $4  }
0x4d: {  	s25 =	sadd.s32 s25, s28;
	[sflag:s7] =	ssyncadd.s32 $0xFFFFC000  }
0x4e: {  	[hbm4b:s25+s6] =	stream.linear.scatter [tilespmem:s18], [sflag:$0x2], $0x4000, $0x38;
	[tilespmem:$0x18180] =	vst v63  }
0x4f: {  	_ =	swait.ge [sflag:s7], $0x4000  }
0x50: {  	s26 =	sadd.s32 $0xFFFFFFFF, s26;
	[sflag:s7] =	ssyncset.done $0x0  }
.LBB2_1:
0x51: {  	p0 =	sne.s32 s26, $0x1;
	s26 =	sadd.s32 $0xFFFFFFFF, s26;
	[sflag:s7] =	ssyncadd.s32 $0xFFFFC000  }
0x52: {  	[tilespmem:s6], [sflag:$0x2] =	stream.linear.gather [hbm4b:s8+s6], $0x80, $0x38;
	[tilespmem:$0x18180] =	vst v63  }
0x53: {  	_ =	swait.ge [sflag:s7], $0x80  }
0x54: {  	[sflag:s7] =	ssyncset.done $0x0  }
0x55: {  	[sflag:s7] =	ssyncadd.s32 $0xFFFFFF80  }
0x56: {  	[tilespmem:s10], [sflag:$0x2] =	stream.linear.gather [hbm4b:s9+s6], $0x80, $0x38;
	[tilespmem:$0x18180] =	vst v63  }
0x57: {  	_ =	swait.ge [sflag:s7], $0x80  }
0x58: {  	[sflag:s7] =	ssyncset.done $0x0  }
0x59: {  	[sflag:s7] =	ssyncadd.s32 $0xFFFFFF80  }
0x5a: {  	[tilespmem:s12], [sflag:$0x2] =	stream.linear.gather [hbm4b:s11+s6], $0x80, $0x38;
	[tilespmem:$0x18180] =	vst v63  }
0x5b: {  	_ =	swait.ge [sflag:s7], $0x80  }
0x5c: {  	[sflag:s7] =	ssyncset.done $0x0  }
0x5d: {  	[sflag:s7] =	ssyncadd.s32 $0xFFFFFF80  }
0x5e: {  	[tilespmem:s13], [sflag:$0x1] =	stream.indirect.gather [hbm4b:s0+s10], $0x80, s6, s10, $0xb8;
	[tilespmem:$0x18180] =	vst v63  }
0x5f: {  	_ = 	snop  }
0x60: {  	[tilespmem:s14], [sflag:$0x1] =	stream.indirect.gather [hbm4b:s1+s10], $0x80, s6, s10, $0xb8;
	[tilespmem:$0x18180] =	vst v63  }
0x61: {  	_ = 	snop  }
0x62: {  	[tilespmem:s15], [sflag:$0x1] =	stream.indirect.gather [hbm4b:s2+s10], $0x80, s10, s10, $0xb8;
	[tilespmem:$0x18180] =	vst v63  }
0x63: {  	_ = 	snop  }
0x64: {  	[tilespmem:s16], [sflag:$0x1] =	stream.indirect.gather [hbm4b:s2+s10], $0x80, s12, s10, $0xb8;
	[tilespmem:$0x18180] =	vst v63  }
0x65: {  	_ = 	snop  }
0x66: {  	[tilespmem:s17], [sflag:$0x1] =	stream.indirect.gather [hbm4b:s3+s10], $0x80, s10, s10, $0xb8;
	[tilespmem:$0x18180] =	vst v63  }
0x67: {  	_ = 	snop  }
0x68: {  	[tilespmem:s18], [sflag:$0x1] =	stream.indirect.gather [hbm4b:s3+s10], $0x80, s12, s10, $0xb8;
	[tilespmem:$0x18180] =	vst v63  }
0x69: {  	_ =	swait.ge [sflag:s19], $0x4000  }
0x6a: {  	[sflag:s19] =	ssyncset.done $0x0  }
0x6b: {  	[sflag:s19] =	ssyncadd.s32 $0xFFFFC000  }
0x6c: {  	_ =	swait.ge [sflag:s19], $0x4000  }
0x6d: {  	[sflag:s19] =	ssyncset.done $0x0  }
0x6e: {  	[sflag:s19] =	ssyncadd.s32 $0xFFFFC000  }
0x6f: {  	_ =	swait.ge [sflag:s19], $0x4000  }
0x70: {  	[sflag:s19] =	ssyncset.done $0x0  }
0x71: {  	[sflag:s19] =	ssyncadd.s32 $0xFFFFC000  }
0x72: {  	_ =	swait.ge [sflag:s19], $0x4000  }
0x73: {  	[sflag:s19] =	ssyncset.done $0x0  }
0x74: {  	[sflag:s19] =	ssyncadd.s32 $0xFFFFC000  }
0x75: {  	_ =	swait.ge [sflag:s19], $0x4000  }
0x76: {  	[sflag:s19] =	ssyncset.done $0x0  }
0x77: {  	[sflag:s19] =	ssyncadd.s32 $0xFFFFC000  }
0x78: {  	_ =	swait.ge [sflag:s19], $0x4000  }
0x79: {  	[sflag:s19] =	ssyncset.done $0x0  }
0x7a: {  	[sflag:s19] =	ssyncadd.s32 $0xFFFFC000  }
0x7b: {  	[hbm4b:s20+s6] =	stream.linear.scatter [tilespmem:s13], [sflag:$0x2], $0x4000, $0x38;
	[tilespmem:$0x18180] =	vst v63  }
0x7c: {  	_ =	swait.ge [sflag:s7], $0x4000  }
0x7d: {  	[sflag:s7] =	ssyncset.done $0x0  }
0x7e: {  	[sflag:s7] =	ssyncadd.s32 $0xFFFFC000  }
0x7f: {  	[hbm4b:s21+s6] =	stream.linear.scatter [tilespmem:s14], [sflag:$0x2], $0x4000, $0x38;
	[tilespmem:$0x18180] =	vst v63  }
0x80: {  	_ =	swait.ge [sflag:s7], $0x4000  }
0x81: {  	[sflag:s7] =	ssyncset.done $0x0  }
0x82: {  	[sflag:s7] =	ssyncadd.s32 $0xFFFFC000  }
0x83: {  	[hbm4b:s22+s6] =	stream.linear.scatter [tilespmem:s15], [sflag:$0x2], $0x4000, $0x38;
	[tilespmem:$0x18180] =	vst v63  }
0x84: {  	_ =	swait.ge [sflag:s7], $0x4000  }
0x85: {  	[sflag:s7] =	ssyncset.done $0x0  }
0x86: {  	[sflag:s7] =	ssyncadd.s32 $0xFFFFC000  }
0x87: {  	[hbm4b:s23+s6] =	stream.linear.scatter [tilespmem:s16], [sflag:$0x2], $0x4000, $0x38;
	[tilespmem:$0x18180] =	vst v63  }
0x88: {  	_ =	swait.ge [sflag:s7], $0x4000  }
0x89: {  	[sflag:s7] =	ssyncset.done $0x0  }
0x8a: {  	[sflag:s7] =	ssyncadd.s32 $0xFFFFC000  }
0x8b: {  	[hbm4b:s24+s6] =	stream.linear.scatter [tilespmem:s17], [sflag:$0x2], $0x4000, $0x38;
	[tilespmem:$0x18180] =	vst v63  }
0x8c: {  	_ =	swait.ge [sflag:s7], $0x4000  }
.Ltmp1:
0x8d: {  	[sflag:s7] =	ssyncset.done $0x0;
	(pc) =	sbr.rel @p0 .LBB2_1-.Ltmp1, $4  }
0x8e: {  	[sflag:s7] =	ssyncadd.s32 $0xFFFFC000  }
0x8f: {  	[hbm4b:s25+s6] =	stream.linear.scatter [tilespmem:s18], [sflag:$0x2], $0x4000, $0x38;
	[tilespmem:$0x18180] =	vst v63  }
0x90: {  	_ =	swait.ge [sflag:s7], $0x4000  }
0x91: {  	[sflag:s7] =	ssyncset.done $0x0  }
.LBB2_2:
0x92: {  	[sflag:s7] =	ssyncadd.s32 $0xFFFFC000  }
0x93: {  	_ =	sfence.sel $0x180000  }
0x94: {  	[bflag:$0x0] =	sbarrier.arrive $0xFFFF  }
0x95: {  	p0 =	sne.s32 s4, $0x0;
	_ =	strace $0x9000004A  }
0x96: {  	s0 =	sadd.s32 @!p0 $0x100000, s5;
	[bflag:$0x2] =	sbarrier.arrive $0xFFFF  }
0x97: {  	[sflag:s0] =	ssyncadd.tile.s32 @!p0 $0x1;
	_ =	shalt  }
.Lfunc_end2:
_tile_overlayer_lowered:
.L_overlay_start_2:
0x98: {  	(tag) =	ssettag $0x2  }
0x99: {  	s0 =	rddreg [dreg:$0x0];
	s2 =	stileid.u32  }
0x9a: {  	s1 =	rddreg [dreg:$0x1];
	p0 =	sne.s32 s2, $0x0  }
0x9b: {  	s3 =	rddreg [dreg:$0x2];
	[bflag:$0x3] =	sbarrier.arrive $0xFFFF;
	s2 =	simm.s32 @!p0 $0x1C02  }
0x9c: {  	[timem:s3], [sflag:s2] =	dma.local @!p0 [hbm:s0], s1  }
0x9d: {  	s0 =	simm.s32 @!p0 $0x2  }
0x9e: {  	_ =	swait.ge @!p0 [sflag:s0], s1  }
0x9f: {  	s1 =	ssub.s32 @!p0 $0x0, s1;
	[sflag:s0] =	ssyncset.done @!p0 $0x0  }
0xa0: {  	[sflag:s0] =	ssyncadd.s32 @!p0 s1  }
0xa1: {  	[bflag:$0x3] =	sbarrier.arrive $0xFFFF  }
0xa2: {  	_ =	shalt  }

// kernel: kernel.8.cloned.1.call-start
scs
__scs_entry_jumppad:
0x0: {  	(pc) =	sbr.rel $0x88, $3  }
0x1: {  	(tag) =	ssettag $0x0;
	lr =	simm.s32 $0x1  }
0x2: {  	[smem:$0x3F99] =	sst lr;
	_ =	strace $0xD0000000  }
0x3: {  	_ = 	snop  }
0x4: {  	_ = 	snop  }
0x5: {  	_ = 	snop  }
0x6: {  	_ = 	snop  }
0x7: {  	_ = 	snop  }
__scs_overlays_trampoline_lowered:
0x8: {  	[smem:$0x3FA8] =	sst s0  }
0x9: {  	[smem:$0x3FA9] =	sst s1  }
0xa: {  	[smem:$0x3FAA] =	sst s2  }
0xb: {  	[smem:$0x3FAB] =	sst s3  }
0xc: {  	[smem:$0x3FAC] =	sst s4  }
0xd: {  	[smem:$0x3FAD] =	sst s5  }
0xe: {  	[smem:$0x3FAE] =	sst s6  }
0xf: {  	[smem:$0x3FAF] =	sst s7  }
0x10: {  	[smem:$0x3FB0] =	sst s8  }
0x11: {  	[smem:$0x3FB1] =	sst s9;
	s0 =	simm.s32 @!p0 $0x0  }
0x12: {  	s1 =	sld [smem:$0x3F97];
	s0 =	simm.s32 @p0 $0x1  }
0x13: {  	[smem:$0x3FB2] =	sst s0;
	s0 =	simm.s32 @!p1 $0x0  }
0x14: {  	s2 =	sld [smem:$0x3F96];
	s0 =	simm.s32 @p1 $0x1  }
0x15: {  	[smem:$0x3FB3] =	sst s0;
	s0 =	simm.s32 @!p2 $0x0  }
0x16: {  	s3 =	sld [smem:$0x3FDB];
	s0 =	simm.s32 @p2 $0x1  }
0x17: {  	s4 =	simm.s32 $0x1BF5;
	[smem:$0x3FB5] =	sst s0  }
0x18: {  	s0 =	sld [smem:$0x3F98];
	_ =	swait.ge [sflag:s4], $0x0  }
0x19: {  	s7 =	sld [smem:$0x3F99]  }
0x1a: {  	s8 =	sadd.s32 $0xFFFFE003, lr  }
0x1b: {  	s9 =	sadd.s32 $0xFFFFFEF7, lr;
	s5 =	simm.s32 $0xFFFFFFFF;
	p2 =	slt.u32 s8, $0xFFFFF086  }
0x1c: {  	p1 =	slt.u32 s9, $0xF7A;
	s5 =	simm.s32 @!p2 $0x0  }
0x1d: {  	s5 =	simm.s32 @p1 $0x1;
	p0 =	seq.s32 s7, s2  }
0x1e: {  	s7 =	smul.u32 @!p0 $0xF7A, s2;
	p2 =	seq.s32 @!p0 s5, $0x0  }
0x1f: {  	s9 =	smul.u32 $0xF7A, s1;
	s8 =	simm.s32 @!p0 $0x1BF5;
	p2 =	por !p2, p0  }
0x20: {  	[sflag:s8] =	ssyncset.s32 @!p0 $0xFFFFF086;
	s6 =	sadd.s32 @!p0 s3, s7;
	s7 =	simm.s32 @!p0 $0x108  }
0x21: {  	s3 =	sadd.s32 s3, s9;
	s6 =	sadd.s32 @!p0 $0x88, s6;
	s7 =	simm.s32 @p2 $0x1082  }
0x22: {  	[simem:s7], [sflag:s8] =	dma.local @!p0 [hbm:s6], $0xF7A  }
0x23: {  	s9 =	sor.u32 $0xD0000000, s2;
	s6 =	simm.s32 $0x108;
	_ =	swait.ge @!p0 [sflag:s8], $0x0  }
0x24: {  	s3 =	sadd.s32 $0x88, s3;
	s6 =	simm.s32 @!p1 $0x1082;
	[sflag:s4] =	ssyncset.s32 $0xFFFFF086  }
0x25: {  	[simem:s6], [sflag:s4] =	dma.local [hbm:s3], $0xF7A  }
0x26: {  	[smem:$0x3F99] =	sst s1;
	(tag) =	ssettag s2;
	_ =	strace s9  }
0x27: {  	s1 =	sld [smem:$0x3FA9]  }
0x28: {  	s2 =	sld [smem:$0x3FAA]  }
0x29: {  	s4 =	sld [smem:$0x3FAC]  }
0x2a: {  	p0 =	seq.s32 s5, $0x0;
	s5 =	sld [smem:$0x3FAD]  }
0x2b: {  	s6 =	sld [smem:$0x3FAE]  }
0x2c: {  	s7 =	sld [smem:$0x3FAF]  }
0x2d: {  	s3 =	simm.s32 $0x108;
	s8 =	sld [smem:$0x3FB0]  }
0x2e: {  	s3 =	simm.s32 @!p0 $0x1082;
	s9 =	sld [smem:$0x3FB1]  }
0x2f: {  	lr =	sadd.s32 s0, s3;
	s0 =	sld [smem:$0x3FA8]  }
0x30: {  	s3 =	sld [smem:$0x3FAB]  }
0x31: {  	[smem:$0x3FB4] =	sst s10  }
0x32: {  	s10 =	sld [smem:$0x3FB2];
	_ =	sdelay $0x3  }
0x33: {  	p0 =	seq.s32 s10, $0x1;
	s10 =	sld [smem:$0x3FB4];
	_ =	sdelay $0x3  }
0x34: {  	[smem:$0x3FB4] =	sst s10  }
0x35: {  	s10 =	sld [smem:$0x3FB3];
	_ =	sdelay $0x3  }
0x36: {  	p1 =	seq.s32 s10, $0x1;
	s10 =	sld [smem:$0x3FB4];
	_ =	sdelay $0x3  }
0x37: {  	[smem:$0x3FB4] =	sst s10  }
0x38: {  	s10 =	sld [smem:$0x3FB5]  }
0x39: {  	_ = 	snop;
	(pc) =	sbr.ind lr, $3  }
0x3a: {  	_ = 	snop  }
0x3b: {  	_ = 	snop  }
0x3c: {  	p2 =	seq.s32 s10, $0x1;
	s10 =	sld [smem:$0x3FB4]  }
0x3d: {  	_ =	shalt  }
0x3e: {  	_ =	shalt  }
0x3f: {  	_ =	shalt  }
0x40: {  	_ =	shalt  }
0x41: {  	_ =	shalt  }
0x42: {  	_ =	shalt  }
0x43: {  	_ =	shalt  }
0x44: {  	_ =	shalt  }
0x45: {  	_ =	shalt  }
0x46: {  	_ =	shalt  }
0x47: {  	_ =	shalt  }
0x48: {  	_ =	shalt  }
0x49: {  	_ =	shalt  }
0x4a: {  	_ =	shalt  }
0x4b: {  	_ =	shalt  }
0x4c: {  	_ =	shalt  }
0x4d: {  	_ =	shalt  }
0x4e: {  	_ =	shalt  }
0x4f: {  	_ =	shalt  }
0x50: {  	_ =	shalt  }
0x51: {  	_ =	shalt  }
0x52: {  	_ =	shalt  }
0x53: {  	_ =	shalt  }
0x54: {  	_ =	shalt  }
0x55: {  	_ =	shalt  }
0x56: {  	_ =	shalt  }
0x57: {  	_ =	shalt  }
0x58: {  	_ =	shalt  }
0x59: {  	_ =	shalt  }
0x5a: {  	_ =	shalt  }
0x5b: {  	_ =	shalt  }
0x5c: {  	_ =	shalt  }
0x5d: {  	_ =	shalt  }
0x5e: {  	_ =	shalt  }
0x5f: {  	_ =	shalt  }
0x60: {  	_ =	shalt  }
0x61: {  	_ =	shalt  }
0x62: {  	_ =	shalt  }
0x63: {  	_ =	shalt  }
0x64: {  	_ =	shalt  }
0x65: {  	_ =	shalt  }
0x66: {  	_ =	shalt  }
0x67: {  	_ =	shalt  }
0x68: {  	_ =	shalt  }
0x69: {  	_ =	shalt  }
0x6a: {  	_ =	shalt  }
0x6b: {  	_ =	shalt  }
0x6c: {  	_ =	shalt  }
0x6d: {  	_ =	shalt  }
0x6e: {  	_ =	shalt  }
0x6f: {  	_ =	shalt  }
0x70: {  	_ =	shalt  }
0x71: {  	_ =	shalt  }
0x72: {  	_ =	shalt  }
0x73: {  	_ =	shalt  }
0x74: {  	_ =	shalt  }
0x75: {  	_ =	shalt  }
0x76: {  	_ =	shalt  }
0x77: {  	_ =	shalt  }
0x78: {  	_ =	shalt  }
0x79: {  	_ =	shalt  }
0x7a: {  	_ =	shalt  }
0x7b: {  	_ =	shalt  }
0x7c: {  	_ =	shalt  }
0x7d: {  	_ =	shalt  }
0x7e: {  	_ =	shalt  }
0x7f: {  	_ =	shalt  }
0x80: {  	_ =	shalt  }
0x81: {  	_ =	shalt  }
0x82: {  	_ =	shalt  }
0x83: {  	_ =	shalt  }
0x84: {  	_ =	shalt  }
0x85: {  	_ =	shalt  }
0x86: {  	_ =	shalt  }
0x87: {  	_ =	shalt  }
.Lfunc_end0:
.L_simem_size_0:
called_computation.1_lowered:
.L_overlay_start_0:
0x88: {  	s2 =	sld [smem:$0x3FD9]  }
0x89: {  	s3 =	sld [smem:$0x3FFE];
	_ =	sdelay $0x1  }
0x8a: {  	s1 =	srdreg.scid  }
0x8b: {  	s0 =	sand.u32 $0x1, s1  }
0x8c: {  	s14 =	sshll.u32 s0, $0xA;
	s2 =	sadd.s32 s3, s2  }
0x8d: {  	s2 =	sadd.s32 s2, s14  }
0x8e: {  	[smem:$0x3FC0] =	sst s2  }
0x8f: {  	_ = 	snop  }
0x90: {  	s2 =	sld [smem:$0x3FD0];
	_ =	sdelay $0x2  }
0x91: {  	s4 =	simm.s32 $0xB;
	s5 =	simm.s32 $0x10;
	s15 =	sld [smem:$0x3FC9]  }
0x92: {  	[smem:s5], [sflag:s4] =	dma.local [hbm:s2], $0x1  }
0x93: {  	_ =	swait.eq [sflag:s4], $0x1  }
0x94: {  	[sflag:s4] =	ssyncset.done $0x0  }
0x95: {  	[sflag:s4] =	ssyncadd.s32 $0xFFFFFFFF  }
0x96: {  	s16 =	sld [smem:$0x13];
	(tm) =	ssettm $0x1  }
0x97: {  	s17 =	sld [smem:$0x3FFB];
	_ =	sdelay $0x3  }
0x98: {  	_ =	strace s17  }
0x99: {  	s4 =	sld [smem:$0x3FFC];
	_ =	sdelay $0x3  }
0x9a: {  	_ =	strace s4  }
0x9b: {  	s4 =	sld [smem:$0x3FFD];
	_ =	sdelay $0x3  }
0x9c: {  	_ =	strace s4  }
0x9d: {  	_ =	strace $0x8FFFFFFF  }
0x9e: {  	s18 =	sld [smem:$0x3FDB];
	_ =	sdelay $0x1  }
0x9f: {  	s19 =	simm.s32 $_scs_section_size  }
0xa0: {  	s6 =	simm.s32 $_size__tile_overlayer_lowered;
	s7 =	simm.s32 $_tile_overlayer_lowered  }
0xa1: {  	s22 =	simm.s32 $0x1BFF;
	s21 =	sshll.u32 s7, $0x1;
	s4 =	sadd.s32 s19, s18  }
0xa2: {  	s8 =	simm.s32 $0x0;
	s20 =	sshll.u32 s6, $0x1;
	s6 =	sadd.s32 s21, s4  }
0xa3: {  	[timem:s8], [sflag:s22] =	dma.local [hbm:s6], s20  }
0xa4: {  	_ =	swait.ge [sflag:s22], s20  }
0xa5: {  	s5 =	ssub.s32 $0x0, s20;
	[sflag:s22] =	ssyncset.done $0x0  }
0xa6: {  	[sflag:s22] =	ssyncadd.s32 s5;
	_ =	sdelay $0x1  }
0xa7: {  	s23 =	simm.s32 $0x1B8B  }
0xa8: {  	_ =	swait.ge [sflag:s23], $0x1  }
0xa9: {  	[sflag:s23] =	ssyncset.done $0x0  }
0xaa: {  	s25 =	simm.s32 $0x1B8E;
	s24 =	sld [smem:$0x3FFE];
	[sflag:s23] =	ssyncadd.s32 $0xFFFFFFFF  }
0xab: {  	s26 =	simm.s32 $execute0_lowered;
	[smem:$0x3FD2] =	sst s25  }
0xac: {  	s6 =	sshll.u32 s26, $0x1;
	_ =	strace $0x80000046;
	[dreg:$0x1] =	wrdreg $0xFFFFFFFF  }
0xad: {  	s28 =	simm.s32 $_size_execute0_lowered;
	s4 =	sadd.s32 s4, s6;
	[dreg:$0x0] =	wrdreg $0x0  }
0xae: {  	s6 =	sshll.u32 s28, $0x1;
	[dreg:$0x2] =	wrdreg s4  }
0xaf: {  	[dreg:$0x3] =	wrdreg s6  }
0xb0: {  	[dreg:$0x4] =	wrdreg $0xC0  }
0xb1: {  	_ =	task [dreg:s8], $0x5FFFF  }
0xb2: {  	[dreg:$0x1] =	wrdreg $0xFFFFFFFF  }
0xb3: {  	[dreg:$0x0] =	wrdreg $0x60  }
0xb4: {  	[dreg:$0x2] =	wrdreg s15  }
0xb5: {  	[dreg:$0x3] =	wrdreg s24  }
0xb6: {  	[dreg:$0x4] =	wrdreg s16  }
0xb7: {  	[dreg:$0x5] =	wrdreg $0xA  }
0xb8: {  	_ =	task.clear_ibuf [dreg:s8], $0x6FFFF;
	_ =	strace $0x90000046  }
0xb9: {  	s29 =	simm.s32 $0xA;
	_ =	strace $0x80000048  }
0xba: {  	_ =	swait.ge [sflag:s29], $0x1  }
0xbb: {  	[sflag:s29] =	ssyncadd.s32 $0xFFFFFFFF  }
0xbc: {  	_ =	strace $0x90000048  }
0xbd: {  	_ =	sfence  }
0xbe: {  	s30 =	sld [smem:$0x0];
	_ =	sdelay $0x2  }
0xbf: {  	s31 =	sshll.u32 s1, $0xD;
	s1 =	sshrl.u32 s1, $0x2  }
0xc0: {  	s3 =	sand.u32 $0x4000, s31;
	s1 =	sadd.s32 s1, s30  }
0xc1: {  	s0 =	sor.u32 s3, s0;
	s1 =	sshll.u32 s1, $0x11  }
0xc2: {  	s0 =	sor.u32 s1, s0  }
0xc3: {  	s0 =	sadd.s32 $0x8F2B, s0  }
0xc4: {  	[sflag:s0] =	ssyncadd.remote.s32 $0x1  }
0xc5: {  	_ =	sfence.sel $0xFFFF  }
0xc6: {  	[dreg:$0x0] =	wrdreg $0xFFFFFFFF;
	(pc) =	sbr.abs _section_cstart, $3  }
0xc7: {  	[dreg:$0x1] =	wrdreg $0xFFFFFFFF  }
0xc8: {  	_ =	task.clear_ibuf [dreg:s8], $0x2FFFF;
	_ =	strace $0x9FFFFFFF  }
0xc9: {  	(tm) =	ssettm $0x7FFFFFFF  }
tec
execute0_lowered:
.L_overlay_start_1:
0x0: {  	(tag) =	ssettag $0x1  }
0x1: {  	s3 =	rddreg [dreg:$0x0]  }
0x2: {  	s1 =	srdreg.scid;
	s5 =	rddreg [dreg:$0x1]  }
0x3: {  	s0 =	stileid.u32;
	s8 =	rddreg [dreg:$0x2];
	s6 =	sand.u32 $0x1, s1  }
0x4: {  	s2 =	simm.s32 $0x0;
	s4 =	sshll.u32 s0, $0x8;
	s7 =	sshll.u32 s6, $0x7  }
0x5: {  	[smem:$0x7FF] =	sst s2;
	s9 =	sor.u32 s7, s4  }
0x6: {  	s1 =	rddreg [dreg:$0x3];
	_ =	strace $0x80000047;
	s4 =	sshrl.u32 s9, $0x3  }
0x7: {  	s10 =	ssub.s32 $0x2, s6;
	s4 =	sadd.s32 s3, s4;
	s3 =	simm.s32 $0x2  }
0x8: {  	[tilespmem:s2], [sflag:$0x2] =	stream.linear.gather [hbm4b:s4+s2], $0x80, $0x38;
	[tilespmem:$0x4080] =	vst v63  }
0x9: {  	s5 =	sadd.s32 $0xE00, s5;
	s11 =	sshrl.u32 s10, $0x1;
	_ =	swait.ge [sflag:s3], $0x80  }
0xa: {  	s6 =	simm.s32 $0x80;
	s10 =	ssub.s32 s10, s11;
	[sflag:s3] =	ssyncset.done $0x0  }
0xb: {  	s7 =	simm.s32 $0x1;
	s31 =	smax.u32 s10, $0x1;
	[sflag:s3] =	ssyncadd.s32 $0xFFFFFF80  }
0xc: {  	[tilespmem:s6], [sflag:$0x1] =	stream.indirect.gather [hbm4b:s5+s6], $0x80, s2, s6, $0xb8;
	[tilespmem:$0x4080] =	vst v63  }
0xd: {  	p0 =	sne.s32 s31, $0x1;
	_ =	swait.ge [sflag:s7], $0x4000  }
.Ltmp0:
0xe: {  	s9 =	sshll.u32 s9, $0x4;
	[sflag:s7] =	ssyncset.done $0x0;
	(pc) =	sbr.rel @!p0 .LBB2_2-.Ltmp0, $4  }
0xf: {  	s8 =	sadd.s32 s8, s9;
	[sflag:s7] =	ssyncadd.s32 $0xFFFFC000  }
0x10: {  	[hbm4b:s8+s2] =	stream.linear.scatter [tilespmem:s6], [sflag:$0x2], $0x4000, $0x38;
	[tilespmem:$0x4080] =	vst v63  }
0x11: {  	_ =	swait.ge [sflag:s3], $0x4000  }
0x12: {  	s9 =	sadd.s32 $0xFFFFFFFF, s31;
	[sflag:s3] =	ssyncset.done $0x0  }
.LBB2_1:
0x13: {  	p0 =	sne.s32 s9, $0x1;
	s9 =	sadd.s32 $0xFFFFFFFF, s9;
	[sflag:s3] =	ssyncadd.s32 $0xFFFFC000  }
0x14: {  	[tilespmem:s2], [sflag:$0x2] =	stream.linear.gather [hbm4b:s4+s2], $0x80, $0x38;
	[tilespmem:$0x4080] =	vst v63  }
0x15: {  	_ =	swait.ge [sflag:s3], $0x80  }
0x16: {  	[sflag:s3] =	ssyncset.done $0x0  }
0x17: {  	[sflag:s3] =	ssyncadd.s32 $0xFFFFFF80  }
0x18: {  	[tilespmem:s6], [sflag:$0x1] =	stream.indirect.gather [hbm4b:s5+s6], $0x80, s2, s6, $0xb8;
	[tilespmem:$0x4080] =	vst v63  }
0x19: {  	_ =	swait.ge [sflag:s7], $0x4000  }
.Ltmp1:
0x1a: {  	[sflag:s7] =	ssyncset.done $0x0;
	(pc) =	sbr.rel @p0 .LBB2_1-.Ltmp1, $4  }
0x1b: {  	[sflag:s7] =	ssyncadd.s32 $0xFFFFC000  }
0x1c: {  	[hbm4b:s8+s2] =	stream.linear.scatter [tilespmem:s6], [sflag:$0x2], $0x4000, $0x38;
	[tilespmem:$0x4080] =	vst v63  }
0x1d: {  	_ =	swait.ge [sflag:s3], $0x4000  }
0x1e: {  	[sflag:s3] =	ssyncset.done $0x0  }
.LBB2_2:
0x1f: {  	[sflag:s3] =	ssyncadd.s32 $0xFFFFC000  }
0x20: {  	_ =	sfence.sel $0x180000  }
0x21: {  	[bflag:$0x0] =	sbarrier.arrive $0xFFFF  }
0x22: {  	p0 =	sne.s32 s0, $0x0;
	_ =	strace $0x90000047  }
0x23: {  	s0 =	sadd.s32 @!p0 $0x100000, s1;
	[bflag:$0x2] =	sbarrier.arrive $0xFFFF  }
0x24: {  	[sflag:s0] =	ssyncadd.tile.s32 @!p0 $0x1;
	_ =	shalt  }
.Lfunc_end2:
_tile_overlayer_lowered:
.L_overlay_start_2:
0x25: {  	(tag) =	ssettag $0x2  }
0x26: {  	s0 =	rddreg [dreg:$0x0];
	s2 =	stileid.u32  }
0x27: {  	s1 =	rddreg [dreg:$0x1];
	p0 =	sne.s32 s2, $0x0  }
0x28: {  	s3 =	rddreg [dreg:$0x2];
	[bflag:$0x3] =	sbarrier.arrive $0xFFFF;
	s2 =	simm.s32 @!p0 $0x1C02  }
0x29: {  	[timem:s3], [sflag:s2] =	dma.local @!p0 [hbm:s0], s1  }
0x2a: {  	s0 =	simm.s32 @!p0 $0x2  }
0x2b: {  	_ =	swait.ge @!p0 [sflag:s0], s1  }
0x2c: {  	s1 =	ssub.s32 @!p0 $0x0, s1;
	[sflag:s0] =	ssyncset.done @!p0 $0x0  }
0x2d: {  	[sflag:s0] =	ssyncadd.s32 @!p0 s1  }
0x2e: {  	[bflag:$0x3] =	sbarrier.arrive $0xFFFF  }
0x2f: {  	_ =	shalt  }

</sc_bundles>
